<compile_context>
chip_gen: v7x
topology: tpu7x:2x2x1
jax: 0.10.2.dev20260603
libtpu: 0.0.44.dev20260713+nightly
codegen_flags: <defaults>
</compile_context>

<pallas_src>
import functools

import jax
import jax.numpy as jnp
from jax import lax
from jax.experimental import pallas as pl
from jax.experimental.pallas import tpu as pltpu
from jax.experimental.pallas import tpu_sc as plsc

_VOCAB = 1000000
_EMBED_DIM = 64
_BATCH = 16384
_HIST = 50

_NC = 2
_NS = 16
_NW = _NC * _NS
_BB = 128
_NBLK = _BATCH // _BB
_KPW = _NBLK // _NW
_ITERS = _KPW * _HIST
_NTILE = _HIST * (_EMBED_DIM // 8) * _NBLK


def _transpose_block(gbuf, tbuf):
    iota = lax.iota(jnp.int32, 16)
    zeros = jnp.zeros((16,), jnp.int32)
    bases = [lax.shift_left(iota + 16 * j, 6) for j in range(8)]

    @plsc.parallel_loop(0, _EMBED_DIM, unroll=4)
    def _(e):
        for j in range(8):
            v = plsc.load_gather(gbuf, [zeros, bases[j] + e])
            tbuf[e, pl.ds(16 * j, 16)] = v


def _embed_kernel(idx_hbm, w_hbm, l_hbm,
                  idx_v, gb0, gb1, tb0, tb1,
                  gsem0, gsem1, wsem0, wsem1):
    wid = lax.axis_index("s") * _NC + lax.axis_index("c")
    gbs, tbs = (gb0, gb1), (tb0, tb1)
    gsems, wsems = (gsem0, gsem1), (wsem0, wsem1)

    pltpu.sync_copy(idx_hbm.at[wid], idx_v)

    def fire_gather(i, p):
        pltpu.async_copy(w_hbm.at[idx_v.at[i]], gbs[p], gsems[p])

    fire_gather(0, 0)
    fire_gather(1, 1)

    def step(i2, carry):
        for p in range(2):
            i = 2 * i2 + p
            k = i // _HIST
            h = i - k * _HIST
            bb = _KPW * wid + k
            pltpu.make_async_copy(
                w_hbm.at[pl.ds(0, _BB)], gbs[p], gsems[p]
            ).wait()

            @pl.when(i2 >= 1)
            def _():
                for _eb in range(8):
                    pltpu.make_async_copy(
                        tbs[p].at[pl.ds(8 * _eb, 8)], l_hbm.at[0], wsems[p]
                    ).wait()

            _transpose_block(gbs[p], tbs[p])

            for eb in range(8):
                pltpu.async_copy(
                    tbs[p].at[pl.ds(8 * eb, 8)],
                    l_hbm.at[h * 1024 + eb * 128 + bb],
                    wsems[p],
                )

            @pl.when(i + 2 < _ITERS)
            def _():
                fire_gather(i + 2, p)

        return carry

    lax.fori_loop(0, _ITERS // 2, step, 0)

    for p in range(2):
        for _eb in range(8):
            pltpu.make_async_copy(
                tbs[p].at[pl.ds(8 * _eb, 8)], l_hbm.at[0], wsems[p]
            ).wait()


@jax.jit
def _embed(idxP, w):
    mesh = plsc.VectorSubcoreMesh(core_axis_name="c", subcore_axis_name="s")
    f = functools.partial(
        pl.kernel,
        mesh=mesh,
        out_type=jax.ShapeDtypeStruct((_NTILE, 8, 128), jnp.float32),
        scratch_types=[
            pltpu.VMEM((_ITERS, _BB), jnp.int32),
            pltpu.VMEM((_BB, _EMBED_DIM), jnp.float32),
            pltpu.VMEM((_BB, _EMBED_DIM), jnp.float32),
            pltpu.VMEM((_EMBED_DIM, _BB), jnp.float32),
            pltpu.VMEM((_EMBED_DIM, _BB), jnp.float32),
            pltpu.SemaphoreType.DMA,
            pltpu.SemaphoreType.DMA,
            pltpu.SemaphoreType.DMA,
            pltpu.SemaphoreType.DMA,
        ],
        compiler_params=pltpu.CompilerParams(
            use_tc_tiling_on_sc=False, needs_layout_passes=False
        ),
    )(_embed_kernel)
    return f(idxP, w)


def kernel(tokenIndex, weights):
    idx = tokenIndex.astype(jnp.int32)
    idxP = (idx.T.reshape(_HIST, _NBLK, _BB).transpose(1, 0, 2)
            .reshape(_NW, _ITERS, _BB))
    L = _embed(idxP, weights)
    return (
        L.reshape(_HIST, 8, _NBLK, 8, _BB)
        .transpose(2, 4, 0, 1, 3)
        .reshape(_BATCH, _HIST, _EMBED_DIM)
    )

# --- scband reference (transcript-rebuilt; emitter-appended) ---
"""Pipeline reference for scband-embedlayer-31963146617318 (READ-ONLY COPY).

The authoritative reference and input builder live on the scoring server;
editing this copy changes nothing except your own understanding.
"""

import jax, jax.numpy as jnp
import numpy as np

VOCAB = 1000000
EMBED_DIM = 64
BATCH = 16384
HIST = 50

def setup_inputs(seed: int = 0) -> dict:
    key = jax.random.key(seed)
    k_idx, k_w = jax.random.split(key)
    tokenIndex = jax.random.randint(k_idx, (BATCH, HIST), 0, VOCAB, dtype=jnp.int64) if jax.config.jax_enable_x64 else jax.random.randint(k_idx, (BATCH, HIST), 0, VOCAB, dtype=jnp.int32)
    weights = jax.random.normal(k_w, (VOCAB, EMBED_DIM), dtype=jnp.float32) * 0.01
    return {"tokenIndex": tokenIndex, "weights": weights}

def reference(tokenIndex, weights):
    # EMBEDLAYER.forward: embedVector = self.weights[tokenIndex]
    embedVector = jnp.take(weights, tokenIndex, axis=0)
    return embedVector

if __name__ == "__main__":
    import jax
    _d = setup_inputs()
    print(jax.jit(kernel)(*tuple(_d.values())))

</pallas_src>

<mosaic_0001>
#map = affine_map<(d0, d1) -> (0, 0, 0)>
#map1 = affine_map<(d0, d1) -> (0, 0)>
module attributes {stable_mosaic.version = 14 : i64} {
  func.func @_embed_kernel(%arg0: i32, %arg1: i32, %arg2: memref<32x200x128xi32, #tpu.memory_space<hbm>>, %arg3: memref<1000000x64xf32, #tpu.memory_space<hbm>>, %arg4: memref<51200x8x128xf32, #tpu.memory_space<hbm>>, %arg5: memref<200x128xi32, #tpu.memory_space<vmem>>, %arg6: memref<128x64xf32, #tpu.memory_space<vmem>>, %arg7: memref<128x64xf32, #tpu.memory_space<vmem>>, %arg8: memref<64x128xf32, #tpu.memory_space<vmem>>, %arg9: memref<64x128xf32, #tpu.memory_space<vmem>>, %arg10: memref<!tpu.dma_semaphore, #tpu.memory_space<semaphore_mem>>, %arg11: memref<!tpu.dma_semaphore, #tpu.memory_space<semaphore_mem>>, %arg12: memref<!tpu.dma_semaphore, #tpu.memory_space<semaphore_mem>>, %arg13: memref<!tpu.dma_semaphore, #tpu.memory_space<semaphore_mem>>) attributes {dimension_semantics = [#tpu.dimension_semantics<core_parallel>, #tpu.dimension_semantics<subcore_parallel>], iteration_bounds = array<i64: 2, 16>, scalar_prefetch = 0 : i64, scratch_operands = 9 : i64, tpu.core_type = #tpu.core_type<sc_vector_subcore>, window_params = [{transform_indices = #map}, {transform_indices = #map1}, {transform_indices = #map}]} {
    %mul3A = arith.constant 2 : i32
    %mul3A_0 = arith.muli %arg1, %mul3A : i32
    %add3A = arith.addi %mul3A_0, %arg0 : i32
    "tpu.region"() ({
      %run_scoped3A = tpu.sem_alloc : memref<!tpu.dma_semaphore, #tpu.memory_space<semaphore_mem>>
      %dma_start3A_258 = arith.constant 0 : i32
      %dma_start3A_259 = arith.constant 0 : i32
      %dma_start3A_260 = tpu.memref_slice %arg2[%add3A, %dma_start3A_258, %dma_start3A_259] : memref<32x200x128xi32, #tpu.memory_space<hbm>> -> memref<1x200x128xi32, #tpu.memory_space<hbm>>
      %dma_start3A_261 = tpu.memref_squeeze %dma_start3A_260 : memref<1x200x128xi32, #tpu.memory_space<hbm>> -> memref<200x128xi32, #tpu.memory_space<hbm>>
      %dma_start3A_262 = arith.constant 0 : i32
      %dma_start3A_263 = arith.constant 0 : i32
      %dma_start3A_264 = tpu.memref_slice %arg2[%add3A, %dma_start3A_262, %dma_start3A_263] : memref<32x200x128xi32, #tpu.memory_space<hbm>> -> memref<1x200x128xi32, #tpu.memory_space<hbm>>
      %dma_start3A_265 = tpu.memref_squeeze %dma_start3A_264 : memref<1x200x128xi32, #tpu.memory_space<hbm>> -> memref<200x128xi32, #tpu.memory_space<hbm>>
      tpu.enqueue_dma source(%dma_start3A_265 : memref<200x128xi32, #tpu.memory_space<hbm>>) target(%arg5 : memref<200x128xi32, #tpu.memory_space<vmem>>) target_semaphore(%run_scoped3A : memref<!tpu.dma_semaphore, #tpu.memory_space<semaphore_mem>>)
      %dma_wait3A_266 = arith.constant 0 : i32
      %dma_wait3A_267 = arith.constant 0 : i32
      %dma_wait3A_268 = tpu.memref_slice %arg2[%add3A, %dma_wait3A_266, %dma_wait3A_267] : memref<32x200x128xi32, #tpu.memory_space<hbm>> -> memref<1x200x128xi32, #tpu.memory_space<hbm>>
      %dma_wait3A_269 = tpu.memref_squeeze %dma_wait3A_268 : memref<1x200x128xi32, #tpu.memory_space<hbm>> -> memref<200x128xi32, #tpu.memory_space<hbm>>
      %dma_wait3A_270 = arith.constant 0 : i32
      %dma_wait3A_271 = arith.constant 0 : i32
      %dma_wait3A_272 = tpu.memref_slice %arg2[%add3A, %dma_wait3A_270, %dma_wait3A_271] : memref<32x200x128xi32, #tpu.memory_space<hbm>> -> memref<1x200x128xi32, #tpu.memory_space<hbm>>
      %dma_wait3A_273 = tpu.memref_squeeze %dma_wait3A_272 : memref<1x200x128xi32, #tpu.memory_space<hbm>> -> memref<200x128xi32, #tpu.memory_space<hbm>>
      tpu.wait_dma2 semaphore(%run_scoped3A : memref<!tpu.dma_semaphore, #tpu.memory_space<semaphore_mem>>) src(%dma_wait3A_273 : memref<200x128xi32, #tpu.memory_space<hbm>>) dst(%arg5 : memref<200x128xi32, #tpu.memory_space<vmem>>)
      tpu.yield
    }) : () -> ()
    %dma_start3A = arith.constant 0 : i32
    %dma_start3A_1 = arith.constant 0 : i32
    %dma_start3A_2 = tpu.memref_slice %arg5[%dma_start3A, %dma_start3A_1] : memref<200x128xi32, #tpu.memory_space<vmem>> -> memref<1x128xi32, #tpu.memory_space<vmem>>
    %dma_start3A_3 = tpu.memref_squeeze %dma_start3A_2 : memref<1x128xi32, #tpu.memory_space<vmem>> -> memref<128xi32, #tpu.memory_space<vmem>>
    %dma_start3A_4 = arith.constant 0 : i32
    %dma_start3A_5 = arith.constant 0 : i32
    %dma_start3A_6 = tpu.memref_slice %arg3[%dma_start3A_4, %dma_start3A_5] : memref<1000000x64xf32, #tpu.memory_space<hbm>> -> memref<1000000x64xf32, #tpu.memory_space<hbm>>
    tpu.enqueue_indirect_dma source(%dma_start3A_6 : memref<1000000x64xf32, #tpu.memory_space<hbm>>) target(%arg6 : memref<128x64xf32, #tpu.memory_space<vmem>>) offsets(%dma_start3A_3 : memref<128xi32, #tpu.memory_space<vmem>>) semaphore(%arg10 : memref<!tpu.dma_semaphore, #tpu.memory_space<semaphore_mem>>)
    %dma_start3A_7 = arith.constant 1 : i32
    %dma_start3A_8 = arith.constant 0 : i32
    %dma_start3A_9 = tpu.memref_slice %arg5[%dma_start3A_7, %dma_start3A_8] : memref<200x128xi32, #tpu.memory_space<vmem>> -> memref<1x128xi32, #tpu.memory_space<vmem>>
    %dma_start3A_10 = tpu.memref_squeeze %dma_start3A_9 : memref<1x128xi32, #tpu.memory_space<vmem>> -> memref<128xi32, #tpu.memory_space<vmem>>
    %dma_start3A_11 = arith.constant 0 : i32
    %dma_start3A_12 = arith.constant 0 : i32
    %dma_start3A_13 = tpu.memref_slice %arg3[%dma_start3A_11, %dma_start3A_12] : memref<1000000x64xf32, #tpu.memory_space<hbm>> -> memref<1000000x64xf32, #tpu.memory_space<hbm>>
    tpu.enqueue_indirect_dma source(%dma_start3A_13 : memref<1000000x64xf32, #tpu.memory_space<hbm>>) target(%arg7 : memref<128x64xf32, #tpu.memory_space<vmem>>) offsets(%dma_start3A_10 : memref<128xi32, #tpu.memory_space<vmem>>) semaphore(%arg11 : memref<!tpu.dma_semaphore, #tpu.memory_space<semaphore_mem>>)
    %scan3A = arith.constant 0 : i32
    %scan3A_14 = arith.constant 0 : i32
    %scan3A_15 = arith.constant 100 : i32
    %scan3A_16 = arith.addi %scan3A_14, %scan3A_15 : i32
    %scan3A_17 = arith.constant 1 : i32
    scf.for %scan3A_258 = %scan3A_14 to %scan3A_16 step %scan3A_17  : i32 {
      %mul3A_259 = arith.constant 2 : i32
      %mul3A_260 = arith.muli %mul3A_259, %scan3A_258 : i32
      %add3A_261 = arith.constant 0 : i32
      %add3A_262 = arith.addi %mul3A_260, %add3A_261 : i32
      %jit3A = arith.constant 50 : i32
      %div3A = arith.divsi %add3A_262, %jit3A : i32
      %sign3A = arith.constant 0 : i32
      %sign3A_263 = arith.cmpi sgt, %add3A_262, %sign3A : i32
      %sign3A_264 = arith.extui %sign3A_263 : i1 to i32
      %sign3A_265 = arith.constant 0 : i32
      %sign3A_266 = arith.cmpi slt, %add3A_262, %sign3A_265 : i32
      %sign3A_267 = arith.extui %sign3A_266 : i1 to i32
      %sign3A_268 = arith.subi %sign3A_264, %sign3A_267 : i32
      %sign3A_269 = arith.constant 0 : i32
      %sign3A_270 = arith.cmpi sgt, %jit3A, %sign3A_269 : i32
      %sign3A_271 = arith.extui %sign3A_270 : i1 to i32
      %sign3A_272 = arith.constant 0 : i32
      %sign3A_273 = arith.cmpi slt, %jit3A, %sign3A_272 : i32
      %sign3A_274 = arith.extui %sign3A_273 : i1 to i32
      %sign3A_275 = arith.subi %sign3A_271, %sign3A_274 : i32
      %ne3A = arith.cmpi ne, %sign3A_268, %sign3A_275 : i32
      %rem3A = arith.remsi %add3A_262, %jit3A : i32
      %ne3A_276 = arith.constant 0 : i32
      %ne3A_277 = arith.cmpi ne, %rem3A, %ne3A_276 : i32
      %and3A = arith.andi %ne3A, %ne3A_277 : i1
      %sub3A = arith.constant 1 : i32
      %sub3A_278 = arith.subi %div3A, %sub3A : i32
      %select_n3A = arith.select %and3A, %sub3A_278, %div3A : i32
      %mul3A_279 = arith.constant 50 : i32
      %mul3A_280 = arith.muli %select_n3A, %mul3A_279 : i32
      %sub3A_281 = arith.subi %add3A_262, %mul3A_280 : i32
      %mul3A_282 = arith.constant 4 : i32
      %mul3A_283 = arith.muli %mul3A_282, %add3A : i32
      %add3A_284 = arith.addi %mul3A_283, %select_n3A : i32
      %dma_wait3A_285 = arith.constant 0 : i32
      %dma_wait3A_286 = arith.constant 0 : i32
      %dma_wait3A_287 = tpu.memref_slice %arg3[%dma_wait3A_285, %dma_wait3A_286] : memref<1000000x64xf32, #tpu.memory_space<hbm>> -> memref<128x64xf32, #tpu.memory_space<hbm>>
      %dma_wait3A_288 = arith.constant 0 : i32
      %dma_wait3A_289 = arith.constant 0 : i32
      %dma_wait3A_290 = tpu.memref_slice %arg3[%dma_wait3A_288, %dma_wait3A_289] : memref<1000000x64xf32, #tpu.memory_space<hbm>> -> memref<128x64xf32, #tpu.memory_space<hbm>>
      tpu.wait_dma2 semaphore(%arg10 : memref<!tpu.dma_semaphore, #tpu.memory_space<semaphore_mem>>) src(%dma_wait3A_290 : memref<128x64xf32, #tpu.memory_space<hbm>>) dst(%arg6 : memref<128x64xf32, #tpu.memory_space<vmem>>)
      %ge3A = arith.constant 1 : i32
      %ge3A_291 = arith.cmpi sge, %scan3A_258, %ge3A : i32
      %convert_element_type3A = arith.extui %ge3A_291 : i1 to i32
      %cond3A = arith.constant 0 : i32
      %cond3A_292 = arith.cmpi ne, %convert_element_type3A, %cond3A : i32
      scf.if %cond3A_292 {
        %dma_wait3A_759 = arith.constant 0 : i32
        %dma_wait3A_760 = arith.constant 0 : i32
        %dma_wait3A_761 = arith.constant 0 : i32
        %dma_wait3A_762 = tpu.memref_slice %arg8[%dma_wait3A_760, %dma_wait3A_761] : memref<64x128xf32, #tpu.memory_space<vmem>> -> memref<8x128xf32, #tpu.memory_space<vmem>>
        %dma_wait3A_763 = arith.constant 0 : i32
        %dma_wait3A_764 = arith.constant 0 : i32
        %dma_wait3A_765 = tpu.memref_slice %arg4[%dma_wait3A_759, %dma_wait3A_763, %dma_wait3A_764] : memref<51200x8x128xf32, #tpu.memory_space<hbm>> -> memref<1x8x128xf32, #tpu.memory_space<hbm>>
        %dma_wait3A_766 = tpu.memref_squeeze %dma_wait3A_765 : memref<1x8x128xf32, #tpu.memory_space<hbm>> -> memref<8x128xf32, #tpu.memory_space<hbm>>
        %dma_wait3A_767 = arith.constant 0 : i32
        %dma_wait3A_768 = arith.constant 0 : i32
        %dma_wait3A_769 = tpu.memref_slice %arg4[%dma_wait3A_759, %dma_wait3A_767, %dma_wait3A_768] : memref<51200x8x128xf32, #tpu.memory_space<hbm>> -> memref<1x8x128xf32, #tpu.memory_space<hbm>>
        %dma_wait3A_770 = tpu.memref_squeeze %dma_wait3A_769 : memref<1x8x128xf32, #tpu.memory_space<hbm>> -> memref<8x128xf32, #tpu.memory_space<hbm>>
        %dma_wait3A_771 = arith.constant 0 : i32
        %dma_wait3A_772 = arith.constant 0 : i32
        %dma_wait3A_773 = tpu.memref_slice %arg8[%dma_wait3A_771, %dma_wait3A_772] : memref<64x128xf32, #tpu.memory_space<vmem>> -> memref<8x128xf32, #tpu.memory_space<vmem>>
        tpu.wait_dma2 semaphore(%arg12 : memref<!tpu.dma_semaphore, #tpu.memory_space<semaphore_mem>>) src(%dma_wait3A_773 : memref<8x128xf32, #tpu.memory_space<vmem>>) dst(%dma_wait3A_770 : memref<8x128xf32, #tpu.memory_space<hbm>>)
        %dma_wait3A_774 = arith.constant 0 : i32
        %dma_wait3A_775 = arith.constant 8 : i32
        %dma_wait3A_776 = arith.constant 0 : i32
        %dma_wait3A_777 = tpu.memref_slice %arg8[%dma_wait3A_775, %dma_wait3A_776] : memref<64x128xf32, #tpu.memory_space<vmem>> -> memref<8x128xf32, #tpu.memory_space<vmem>>
        %dma_wait3A_778 = arith.constant 0 : i32
        %dma_wait3A_779 = arith.constant 0 : i32
        %dma_wait3A_780 = tpu.memref_slice %arg4[%dma_wait3A_774, %dma_wait3A_778, %dma_wait3A_779] : memref<51200x8x128xf32, #tpu.memory_space<hbm>> -> memref<1x8x128xf32, #tpu.memory_space<hbm>>
        %dma_wait3A_781 = tpu.memref_squeeze %dma_wait3A_780 : memref<1x8x128xf32, #tpu.memory_space<hbm>> -> memref<8x128xf32, #tpu.memory_space<hbm>>
        %dma_wait3A_782 = arith.constant 0 : i32
        %dma_wait3A_783 = arith.constant 0 : i32
        %dma_wait3A_784 = tpu.memref_slice %arg4[%dma_wait3A_774, %dma_wait3A_782, %dma_wait3A_783] : memref<51200x8x128xf32, #tpu.memory_space<hbm>> -> memref<1x8x128xf32, #tpu.memory_space<hbm>>
        %dma_wait3A_785 = tpu.memref_squeeze %dma_wait3A_784 : memref<1x8x128xf32, #tpu.memory_space<hbm>> -> memref<8x128xf32, #tpu.memory_space<hbm>>
        %dma_wait3A_786 = arith.constant 8 : i32
        %dma_wait3A_787 = arith.constant 0 : i32
        %dma_wait3A_788 = tpu.memref_slice %arg8[%dma_wait3A_786, %dma_wait3A_787] : memref<64x128xf32, #tpu.memory_space<vmem>> -> memref<8x128xf32, #tpu.memory_space<vmem>>
        tpu.wait_dma2 semaphore(%arg12 : memref<!tpu.dma_semaphore, #tpu.memory_space<semaphore_mem>>) src(%dma_wait3A_788 : memref<8x128xf32, #tpu.memory_space<vmem>>) dst(%dma_wait3A_785 : memref<8x128xf32, #tpu.memory_space<hbm>>)
        %dma_wait3A_789 = arith.constant 0 : i32
        %dma_wait3A_790 = arith.constant 16 : i32
        %dma_wait3A_791 = arith.constant 0 : i32
        %dma_wait3A_792 = tpu.memref_slice %arg8[%dma_wait3A_790, %dma_wait3A_791] : memref<64x128xf32, #tpu.memory_space<vmem>> -> memref<8x128xf32, #tpu.memory_space<vmem>>
        %dma_wait3A_793 = arith.constant 0 : i32
        %dma_wait3A_794 = arith.constant 0 : i32
        %dma_wait3A_795 = tpu.memref_slice %arg4[%dma_wait3A_789, %dma_wait3A_793, %dma_wait3A_794] : memref<51200x8x128xf32, #tpu.memory_space<hbm>> -> memref<1x8x128xf32, #tpu.memory_space<hbm>>
        %dma_wait3A_796 = tpu.memref_squeeze %dma_wait3A_795 : memref<1x8x128xf32, #tpu.memory_space<hbm>> -> memref<8x128xf32, #tpu.memory_space<hbm>>
        %dma_wait3A_797 = arith.constant 0 : i32
        %dma_wait3A_798 = arith.constant 0 : i32
        %dma_wait3A_799 = tpu.memref_slice %arg4[%dma_wait3A_789, %dma_wait3A_797, %dma_wait3A_798] : memref<51200x8x128xf32, #tpu.memory_space<hbm>> -> memref<1x8x128xf32, #tpu.memory_space<hbm>>
        %dma_wait3A_800 = tpu.memref_squeeze %dma_wait3A_799 : memref<1x8x128xf32, #tpu.memory_space<hbm>> -> memref<8x128xf32, #tpu.memory_space<hbm>>
        %dma_wait3A_801 = arith.constant 16 : i32
        %dma_wait3A_802 = arith.constant 0 : i32
        %dma_wait3A_803 = tpu.memref_slice %arg8[%dma_wait3A_801, %dma_wait3A_802] : memref<64x128xf32, #tpu.memory_space<vmem>> -> memref<8x128xf32, #tpu.memory_space<vmem>>
        tpu.wait_dma2 semaphore(%arg12 : memref<!tpu.dma_semaphore, #tpu.memory_space<semaphore_mem>>) src(%dma_wait3A_803 : memref<8x128xf32, #tpu.memory_space<vmem>>) dst(%dma_wait3A_800 : memref<8x128xf32, #tpu.memory_space<hbm>>)
        %dma_wait3A_804 = arith.constant 0 : i32
        %dma_wait3A_805 = arith.constant 24 : i32
        %dma_wait3A_806 = arith.constant 0 : i32
        %dma_wait3A_807 = tpu.memref_slice %arg8[%dma_wait3A_805, %dma_wait3A_806] : memref<64x128xf32, #tpu.memory_space<vmem>> -> memref<8x128xf32, #tpu.memory_space<vmem>>
        %dma_wait3A_808 = arith.constant 0 : i32
        %dma_wait3A_809 = arith.constant 0 : i32
        %dma_wait3A_810 = tpu.memref_slice %arg4[%dma_wait3A_804, %dma_wait3A_808, %dma_wait3A_809] : memref<51200x8x128xf32, #tpu.memory_space<hbm>> -> memref<1x8x128xf32, #tpu.memory_space<hbm>>
        %dma_wait3A_811 = tpu.memref_squeeze %dma_wait3A_810 : memref<1x8x128xf32, #tpu.memory_space<hbm>> -> memref<8x128xf32, #tpu.memory_space<hbm>>
        %dma_wait3A_812 = arith.constant 0 : i32
        %dma_wait3A_813 = arith.constant 0 : i32
        %dma_wait3A_814 = tpu.memref_slice %arg4[%dma_wait3A_804, %dma_wait3A_812, %dma_wait3A_813] : memref<51200x8x128xf32, #tpu.memory_space<hbm>> -> memref<1x8x128xf32, #tpu.memory_space<hbm>>
        %dma_wait3A_815 = tpu.memref_squeeze %dma_wait3A_814 : memref<1x8x128xf32, #tpu.memory_space<hbm>> -> memref<8x128xf32, #tpu.memory_space<hbm>>
        %dma_wait3A_816 = arith.constant 24 : i32
        %dma_wait3A_817 = arith.constant 0 : i32
        %dma_wait3A_818 = tpu.memref_slice %arg8[%dma_wait3A_816, %dma_wait3A_817] : memref<64x128xf32, #tpu.memory_space<vmem>> -> memref<8x128xf32, #tpu.memory_space<vmem>>
        tpu.wait_dma2 semaphore(%arg12 : memref<!tpu.dma_semaphore, #tpu.memory_space<semaphore_mem>>) src(%dma_wait3A_818 : memref<8x128xf32, #tpu.memory_space<vmem>>) dst(%dma_wait3A_815 : memref<8x128xf32, #tpu.memory_space<hbm>>)
        %dma_wait3A_819 = arith.constant 0 : i32
        %dma_wait3A_820 = arith.constant 32 : i32
        %dma_wait3A_821 = arith.constant 0 : i32
        %dma_wait3A_822 = tpu.memref_slice %arg8[%dma_wait3A_820, %dma_wait3A_821] : memref<64x128xf32, #tpu.memory_space<vmem>> -> memref<8x128xf32, #tpu.memory_space<vmem>>
        %dma_wait3A_823 = arith.constant 0 : i32
        %dma_wait3A_824 = arith.constant 0 : i32
        %dma_wait3A_825 = tpu.memref_slice %arg4[%dma_wait3A_819, %dma_wait3A_823, %dma_wait3A_824] : memref<51200x8x128xf32, #tpu.memory_space<hbm>> -> memref<1x8x128xf32, #tpu.memory_space<hbm>>
        %dma_wait3A_826 = tpu.memref_squeeze %dma_wait3A_825 : memref<1x8x128xf32, #tpu.memory_space<hbm>> -> memref<8x128xf32, #tpu.memory_space<hbm>>
        %dma_wait3A_827 = arith.constant 0 : i32
        %dma_wait3A_828 = arith.constant 0 : i32
        %dma_wait3A_829 = tpu.memref_slice %arg4[%dma_wait3A_819, %dma_wait3A_827, %dma_wait3A_828] : memref<51200x8x128xf32, #tpu.memory_space<hbm>> -> memref<1x8x128xf32, #tpu.memory_space<hbm>>
        %dma_wait3A_830 = tpu.memref_squeeze %dma_wait3A_829 : memref<1x8x128xf32, #tpu.memory_space<hbm>> -> memref<8x128xf32, #tpu.memory_space<hbm>>
        %dma_wait3A_831 = arith.constant 32 : i32
        %dma_wait3A_832 = arith.constant 0 : i32
        %dma_wait3A_833 = tpu.memref_slice %arg8[%dma_wait3A_831, %dma_wait3A_832] : memref<64x128xf32, #tpu.memory_space<vmem>> -> memref<8x128xf32, #tpu.memory_space<vmem>>
        tpu.wait_dma2 semaphore(%arg12 : memref<!tpu.dma_semaphore, #tpu.memory_space<semaphore_mem>>) src(%dma_wait3A_833 : memref<8x128xf32, #tpu.memory_space<vmem>>) dst(%dma_wait3A_830 : memref<8x128xf32, #tpu.memory_space<hbm>>)
        %dma_wait3A_834 = arith.constant 0 : i32
        %dma_wait3A_835 = arith.constant 40 : i32
        %dma_wait3A_836 = arith.constant 0 : i32
        %dma_wait3A_837 = tpu.memref_slice %arg8[%dma_wait3A_835, %dma_wait3A_836] : memref<64x128xf32, #tpu.memory_space<vmem>> -> memref<8x128xf32, #tpu.memory_space<vmem>>
        %dma_wait3A_838 = arith.constant 0 : i32
        %dma_wait3A_839 = arith.constant 0 : i32
        %dma_wait3A_840 = tpu.memref_slice %arg4[%dma_wait3A_834, %dma_wait3A_838, %dma_wait3A_839] : memref<51200x8x128xf32, #tpu.memory_space<hbm>> -> memref<1x8x128xf32, #tpu.memory_space<hbm>>
        %dma_wait3A_841 = tpu.memref_squeeze %dma_wait3A_840 : memref<1x8x128xf32, #tpu.memory_space<hbm>> -> memref<8x128xf32, #tpu.memory_space<hbm>>
        %dma_wait3A_842 = arith.constant 0 : i32
        %dma_wait3A_843 = arith.constant 0 : i32
        %dma_wait3A_844 = tpu.memref_slice %arg4[%dma_wait3A_834, %dma_wait3A_842, %dma_wait3A_843] : memref<51200x8x128xf32, #tpu.memory_space<hbm>> -> memref<1x8x128xf32, #tpu.memory_space<hbm>>
        %dma_wait3A_845 = tpu.memref_squeeze %dma_wait3A_844 : memref<1x8x128xf32, #tpu.memory_space<hbm>> -> memref<8x128xf32, #tpu.memory_space<hbm>>
        %dma_wait3A_846 = arith.constant 40 : i32
        %dma_wait3A_847 = arith.constant 0 : i32
        %dma_wait3A_848 = tpu.memref_slice %arg8[%dma_wait3A_846, %dma_wait3A_847] : memref<64x128xf32, #tpu.memory_space<vmem>> -> memref<8x128xf32, #tpu.memory_space<vmem>>
        tpu.wait_dma2 semaphore(%arg12 : memref<!tpu.dma_semaphore, #tpu.memory_space<semaphore_mem>>) src(%dma_wait3A_848 : memref<8x128xf32, #tpu.memory_space<vmem>>) dst(%dma_wait3A_845 : memref<8x128xf32, #tpu.memory_space<hbm>>)
        %dma_wait3A_849 = arith.constant 0 : i32
        %dma_wait3A_850 = arith.constant 48 : i32
        %dma_wait3A_851 = arith.constant 0 : i32
        %dma_wait3A_852 = tpu.memref_slice %arg8[%dma_wait3A_850, %dma_wait3A_851] : memref<64x128xf32, #tpu.memory_space<vmem>> -> memref<8x128xf32, #tpu.memory_space<vmem>>
        %dma_wait3A_853 = arith.constant 0 : i32
        %dma_wait3A_854 = arith.constant 0 : i32
        %dma_wait3A_855 = tpu.memref_slice %arg4[%dma_wait3A_849, %dma_wait3A_853, %dma_wait3A_854] : memref<51200x8x128xf32, #tpu.memory_space<hbm>> -> memref<1x8x128xf32, #tpu.memory_space<hbm>>
        %dma_wait3A_856 = tpu.memref_squeeze %dma_wait3A_855 : memref<1x8x128xf32, #tpu.memory_space<hbm>> -> memref<8x128xf32, #tpu.memory_space<hbm>>
        %dma_wait3A_857 = arith.constant 0 : i32
        %dma_wait3A_858 = arith.constant 0 : i32
        %dma_wait3A_859 = tpu.memref_slice %arg4[%dma_wait3A_849, %dma_wait3A_857, %dma_wait3A_858] : memref<51200x8x128xf32, #tpu.memory_space<hbm>> -> memref<1x8x128xf32, #tpu.memory_space<hbm>>
        %dma_wait3A_860 = tpu.memref_squeeze %dma_wait3A_859 : memref<1x8x128xf32, #tpu.memory_space<hbm>> -> memref<8x128xf32, #tpu.memory_space<hbm>>
        %dma_wait3A_861 = arith.constant 48 : i32
        %dma_wait3A_862 = arith.constant 0 : i32
        %dma_wait3A_863 = tpu.memref_slice %arg8[%dma_wait3A_861, %dma_wait3A_862] : memref<64x128xf32, #tpu.memory_space<vmem>> -> memref<8x128xf32, #tpu.memory_space<vmem>>
        tpu.wait_dma2 semaphore(%arg12 : memref<!tpu.dma_semaphore, #tpu.memory_space<semaphore_mem>>) src(%dma_wait3A_863 : memref<8x128xf32, #tpu.memory_space<vmem>>) dst(%dma_wait3A_860 : memref<8x128xf32, #tpu.memory_space<hbm>>)
        %dma_wait3A_864 = arith.constant 0 : i32
        %dma_wait3A_865 = arith.constant 56 : i32
        %dma_wait3A_866 = arith.constant 0 : i32
        %dma_wait3A_867 = tpu.memref_slice %arg8[%dma_wait3A_865, %dma_wait3A_866] : memref<64x128xf32, #tpu.memory_space<vmem>> -> memref<8x128xf32, #tpu.memory_space<vmem>>
        %dma_wait3A_868 = arith.constant 0 : i32
        %dma_wait3A_869 = arith.constant 0 : i32
        %dma_wait3A_870 = tpu.memref_slice %arg4[%dma_wait3A_864, %dma_wait3A_868, %dma_wait3A_869] : memref<51200x8x128xf32, #tpu.memory_space<hbm>> -> memref<1x8x128xf32, #tpu.memory_space<hbm>>
        %dma_wait3A_871 = tpu.memref_squeeze %dma_wait3A_870 : memref<1x8x128xf32, #tpu.memory_space<hbm>> -> memref<8x128xf32, #tpu.memory_space<hbm>>
        %dma_wait3A_872 = arith.constant 0 : i32
        %dma_wait3A_873 = arith.constant 0 : i32
        %dma_wait3A_874 = tpu.memref_slice %arg4[%dma_wait3A_864, %dma_wait3A_872, %dma_wait3A_873] : memref<51200x8x128xf32, #tpu.memory_space<hbm>> -> memref<1x8x128xf32, #tpu.memory_space<hbm>>
        %dma_wait3A_875 = tpu.memref_squeeze %dma_wait3A_874 : memref<1x8x128xf32, #tpu.memory_space<hbm>> -> memref<8x128xf32, #tpu.memory_space<hbm>>
        %dma_wait3A_876 = arith.constant 56 : i32
        %dma_wait3A_877 = arith.constant 0 : i32
        %dma_wait3A_878 = tpu.memref_slice %arg8[%dma_wait3A_876, %dma_wait3A_877] : memref<64x128xf32, #tpu.memory_space<vmem>> -> memref<8x128xf32, #tpu.memory_space<vmem>>
        tpu.wait_dma2 semaphore(%arg12 : memref<!tpu.dma_semaphore, #tpu.memory_space<semaphore_mem>>) src(%dma_wait3A_878 : memref<8x128xf32, #tpu.memory_space<vmem>>) dst(%dma_wait3A_875 : memref<8x128xf32, #tpu.memory_space<hbm>>)
      } else {
      }
      %iota3A = tpu.iota {dimensions = array<i32: 0>} : vector<16xi32>
      %broadcast_in_dim3A = arith.constant 0 : i32
      %broadcast_in_dim3A_293 = vector.broadcast %broadcast_in_dim3A : i32 to vector<16xi32>
      %add3A_294 = arith.constant 0 : i32
      %add3A_295 = vector.broadcast %add3A_294 : i32 to vector<16xi32>
      %add3A_296 = arith.addi %iota3A, %add3A_295 : vector<16xi32>
      %shift_left3A = arith.constant 6 : i32
      %shift_left3A_297 = vector.broadcast %shift_left3A : i32 to vector<16xi32>
      %shift_left3A_298 = arith.shli %add3A_296, %shift_left3A_297 : vector<16xi32>
      %add3A_299 = arith.constant 16 : i32
      %add3A_300 = vector.broadcast %add3A_299 : i32 to vector<16xi32>
      %add3A_301 = arith.addi %iota3A, %add3A_300 : vector<16xi32>
      %shift_left3A_302 = arith.constant 6 : i32
      %shift_left3A_303 = vector.broadcast %shift_left3A_302 : i32 to vector<16xi32>
      %shift_left3A_304 = arith.shli %add3A_301, %shift_left3A_303 : vector<16xi32>
      %add3A_305 = arith.constant 32 : i32
      %add3A_306 = vector.broadcast %add3A_305 : i32 to vector<16xi32>
      %add3A_307 = arith.addi %iota3A, %add3A_306 : vector<16xi32>
      %shift_left3A_308 = arith.constant 6 : i32
      %shift_left3A_309 = vector.broadcast %shift_left3A_308 : i32 to vector<16xi32>
      %shift_left3A_310 = arith.shli %add3A_307, %shift_left3A_309 : vector<16xi32>
      %add3A_311 = arith.constant 48 : i32
      %add3A_312 = vector.broadcast %add3A_311 : i32 to vector<16xi32>
      %add3A_313 = arith.addi %iota3A, %add3A_312 : vector<16xi32>
      %shift_left3A_314 = arith.constant 6 : i32
      %shift_left3A_315 = vector.broadcast %shift_left3A_314 : i32 to vector<16xi32>
      %shift_left3A_316 = arith.shli %add3A_313, %shift_left3A_315 : vector<16xi32>
      %add3A_317 = arith.constant 64 : i32
      %add3A_318 = vector.broadcast %add3A_317 : i32 to vector<16xi32>
      %add3A_319 = arith.addi %iota3A, %add3A_318 : vector<16xi32>
      %shift_left3A_320 = arith.constant 6 : i32
      %shift_left3A_321 = vector.broadcast %shift_left3A_320 : i32 to vector<16xi32>
      %shift_left3A_322 = arith.shli %add3A_319, %shift_left3A_321 : vector<16xi32>
      %add3A_323 = arith.constant 80 : i32
      %add3A_324 = vector.broadcast %add3A_323 : i32 to vector<16xi32>
      %add3A_325 = arith.addi %iota3A, %add3A_324 : vector<16xi32>
      %shift_left3A_326 = arith.constant 6 : i32
      %shift_left3A_327 = vector.broadcast %shift_left3A_326 : i32 to vector<16xi32>
      %shift_left3A_328 = arith.shli %add3A_325, %shift_left3A_327 : vector<16xi32>
      %add3A_329 = arith.constant 96 : i32
      %add3A_330 = vector.broadcast %add3A_329 : i32 to vector<16xi32>
      %add3A_331 = arith.addi %iota3A, %add3A_330 : vector<16xi32>
      %shift_left3A_332 = arith.constant 6 : i32
      %shift_left3A_333 = vector.broadcast %shift_left3A_332 : i32 to vector<16xi32>
      %shift_left3A_334 = arith.shli %add3A_331, %shift_left3A_333 : vector<16xi32>
      %add3A_335 = arith.constant 112 : i32
      %add3A_336 = vector.broadcast %add3A_335 : i32 to vector<16xi32>
      %add3A_337 = arith.addi %iota3A, %add3A_336 : vector<16xi32>
      %shift_left3A_338 = arith.constant 6 : i32
      %shift_left3A_339 = vector.broadcast %shift_left3A_338 : i32 to vector<16xi32>
      %shift_left3A_340 = arith.shli %add3A_337, %shift_left3A_339 : vector<16xi32>
      %parallel_loop3A = arith.constant 0 : i32
      %parallel_loop3A_341 = arith.constant 64 : i32
      %parallel_loop3A_342 = arith.constant 1 : i32
      scf.for %parallel_loop3A_759 = %parallel_loop3A to %parallel_loop3A_341 step %parallel_loop3A_342  : i32 {
        %parallel_loop3A_760 = vector.broadcast %parallel_loop3A_759 : i32 to vector<16xi32>
        %parallel_loop3A_761 = arith.addi %shift_left3A_298, %parallel_loop3A_760 : vector<16xi32>
        %parallel_loop3A_762 = tpu.vector_load_idx %arg6[%broadcast_in_dim3A_293, %parallel_loop3A_761] : memref<128x64xf32, #tpu.memory_space<vmem>>[vector<16xi32>, vector<16xi32>], vector<16xf32>,
        %parallel_loop3A_763 = arith.index_cast %parallel_loop3A_759 : i32 to index
        %parallel_loop3A_764 = arith.constant 0 : index
        %parallel_loop3A_765 = tpu.vector_load %arg8[%parallel_loop3A_763, %parallel_loop3A_764] {strides = array<i32>} : memref<64x128xf32, #tpu.memory_space<vmem>>, vector<16xf32>,
        tpu.vector_store %arg8[%parallel_loop3A_763, %parallel_loop3A_764], %parallel_loop3A_762 {strides = array<i32>} : memref<64x128xf32, #tpu.memory_space<vmem>>, vector<16xf32>,
        %parallel_loop3A_766 = vector.broadcast %parallel_loop3A_759 : i32 to vector<16xi32>
        %parallel_loop3A_767 = arith.addi %shift_left3A_304, %parallel_loop3A_766 : vector<16xi32>
        %parallel_loop3A_768 = tpu.vector_load_idx %arg6[%broadcast_in_dim3A_293, %parallel_loop3A_767] : memref<128x64xf32, #tpu.memory_space<vmem>>[vector<16xi32>, vector<16xi32>], vector<16xf32>,
        %parallel_loop3A_769 = arith.index_cast %parallel_loop3A_759 : i32 to index
        %parallel_loop3A_770 = arith.constant 16 : index
        %parallel_loop3A_771 = tpu.vector_load %arg8[%parallel_loop3A_769, %parallel_loop3A_770] {strides = array<i32>} : memref<64x128xf32, #tpu.memory_space<vmem>>, vector<16xf32>,
        tpu.vector_store %arg8[%parallel_loop3A_769, %parallel_loop3A_770], %parallel_loop3A_768 {strides = array<i32>} : memref<64x128xf32, #tpu.memory_space<vmem>>, vector<16xf32>,
        %parallel_loop3A_772 = vector.broadcast %parallel_loop3A_759 : i32 to vector<16xi32>
        %parallel_loop3A_773 = arith.addi %shift_left3A_310, %parallel_loop3A_772 : vector<16xi32>
        %parallel_loop3A_774 = tpu.vector_load_idx %arg6[%broadcast_in_dim3A_293, %parallel_loop3A_773] : memref<128x64xf32, #tpu.memory_space<vmem>>[vector<16xi32>, vector<16xi32>], vector<16xf32>,
        %parallel_loop3A_775 = arith.index_cast %parallel_loop3A_759 : i32 to index
        %parallel_loop3A_776 = arith.constant 32 : index
        %parallel_loop3A_777 = tpu.vector_load %arg8[%parallel_loop3A_775, %parallel_loop3A_776] {strides = array<i32>} : memref<64x128xf32, #tpu.memory_space<vmem>>, vector<16xf32>,
        tpu.vector_store %arg8[%parallel_loop3A_775, %parallel_loop3A_776], %parallel_loop3A_774 {strides = array<i32>} : memref<64x128xf32, #tpu.memory_space<vmem>>, vector<16xf32>,
        %parallel_loop3A_778 = vector.broadcast %parallel_loop3A_759 : i32 to vector<16xi32>
        %parallel_loop3A_779 = arith.addi %shift_left3A_316, %parallel_loop3A_778 : vector<16xi32>
        %parallel_loop3A_780 = tpu.vector_load_idx %arg6[%broadcast_in_dim3A_293, %parallel_loop3A_779] : memref<128x64xf32, #tpu.memory_space<vmem>>[vector<16xi32>, vector<16xi32>], vector<16xf32>,
        %parallel_loop3A_781 = arith.index_cast %parallel_loop3A_759 : i32 to index
        %parallel_loop3A_782 = arith.constant 48 : index
        %parallel_loop3A_783 = tpu.vector_load %arg8[%parallel_loop3A_781, %parallel_loop3A_782] {strides = array<i32>} : memref<64x128xf32, #tpu.memory_space<vmem>>, vector<16xf32>,
        tpu.vector_store %arg8[%parallel_loop3A_781, %parallel_loop3A_782], %parallel_loop3A_780 {strides = array<i32>} : memref<64x128xf32, #tpu.memory_space<vmem>>, vector<16xf32>,
        %parallel_loop3A_784 = vector.broadcast %parallel_loop3A_759 : i32 to vector<16xi32>
        %parallel_loop3A_785 = arith.addi %shift_left3A_322, %parallel_loop3A_784 : vector<16xi32>
        %parallel_loop3A_786 = tpu.vector_load_idx %arg6[%broadcast_in_dim3A_293, %parallel_loop3A_785] : memref<128x64xf32, #tpu.memory_space<vmem>>[vector<16xi32>, vector<16xi32>], vector<16xf32>,
        %parallel_loop3A_787 = arith.index_cast %parallel_loop3A_759 : i32 to index
        %parallel_loop3A_788 = arith.constant 64 : index
        %parallel_loop3A_789 = tpu.vector_load %arg8[%parallel_loop3A_787, %parallel_loop3A_788] {strides = array<i32>} : memref<64x128xf32, #tpu.memory_space<vmem>>, vector<16xf32>,
        tpu.vector_store %arg8[%parallel_loop3A_787, %parallel_loop3A_788], %parallel_loop3A_786 {strides = array<i32>} : memref<64x128xf32, #tpu.memory_space<vmem>>, vector<16xf32>,
        %parallel_loop3A_790 = vector.broadcast %parallel_loop3A_759 : i32 to vector<16xi32>
        %parallel_loop3A_791 = arith.addi %shift_left3A_328, %parallel_loop3A_790 : vector<16xi32>
        %parallel_loop3A_792 = tpu.vector_load_idx %arg6[%broadcast_in_dim3A_293, %parallel_loop3A_791] : memref<128x64xf32, #tpu.memory_space<vmem>>[vector<16xi32>, vector<16xi32>], vector<16xf32>,
        %parallel_loop3A_793 = arith.index_cast %parallel_loop3A_759 : i32 to index
        %parallel_loop3A_794 = arith.constant 80 : index
        %parallel_loop3A_795 = tpu.vector_load %arg8[%parallel_loop3A_793, %parallel_loop3A_794] {strides = array<i32>} : memref<64x128xf32, #tpu.memory_space<vmem>>, vector<16xf32>,
        tpu.vector_store %arg8[%parallel_loop3A_793, %parallel_loop3A_794], %parallel_loop3A_792 {strides = array<i32>} : memref<64x128xf32, #tpu.memory_space<vmem>>, vector<16xf32>,
        %parallel_loop3A_796 = vector.broadcast %parallel_loop3A_759 : i32 to vector<16xi32>
        %parallel_loop3A_797 = arith.addi %shift_left3A_334, %parallel_loop3A_796 : vector<16xi32>
        %parallel_loop3A_798 = tpu.vector_load_idx %arg6[%broadcast_in_dim3A_293, %parallel_loop3A_797] : memref<128x64xf32, #tpu.memory_space<vmem>>[vector<16xi32>, vector<16xi32>], vector<16xf32>,
        %parallel_loop3A_799 = arith.index_cast %parallel_loop3A_759 : i32 to index
        %parallel_loop3A_800 = arith.constant 96 : index
        %parallel_loop3A_801 = tpu.vector_load %arg8[%parallel_loop3A_799, %parallel_loop3A_800] {strides = array<i32>} : memref<64x128xf32, #tpu.memory_space<vmem>>, vector<16xf32>,
        tpu.vector_store %arg8[%parallel_loop3A_799, %parallel_loop3A_800], %parallel_loop3A_798 {strides = array<i32>} : memref<64x128xf32, #tpu.memory_space<vmem>>, vector<16xf32>,
        %parallel_loop3A_802 = vector.broadcast %parallel_loop3A_759 : i32 to vector<16xi32>
        %parallel_loop3A_803 = arith.addi %shift_left3A_340, %parallel_loop3A_802 : vector<16xi32>
        %parallel_loop3A_804 = tpu.vector_load_idx %arg6[%broadcast_in_dim3A_293, %parallel_loop3A_803] : memref<128x64xf32, #tpu.memory_space<vmem>>[vector<16xi32>, vector<16xi32>], vector<16xf32>,
        %parallel_loop3A_805 = arith.index_cast %parallel_loop3A_759 : i32 to index
        %parallel_loop3A_806 = arith.constant 112 : index
        %parallel_loop3A_807 = tpu.vector_load %arg8[%parallel_loop3A_805, %parallel_loop3A_806] {strides = array<i32>} : memref<64x128xf32, #tpu.memory_space<vmem>>, vector<16xf32>,
        tpu.vector_store %arg8[%parallel_loop3A_805, %parallel_loop3A_806], %parallel_loop3A_804 {strides = array<i32>} : memref<64x128xf32, #tpu.memory_space<vmem>>, vector<16xf32>,
      } {sc.loop_unroll_factor = 4 : i64, sc.parallel_access}
      %mul3A_343 = arith.constant 1024 : i32
      %mul3A_344 = arith.muli %sub3A_281, %mul3A_343 : i32
      %add3A_345 = arith.constant 0 : i32
      %add3A_346 = arith.addi %mul3A_344, %add3A_345 : i32
      %add3A_347 = arith.addi %add3A_346, %add3A_284 : i32
      %dma_start3A_348 = arith.constant 0 : i32
      %dma_start3A_349 = arith.constant 0 : i32
      %dma_start3A_350 = tpu.memref_slice %arg8[%dma_start3A_348, %dma_start3A_349] : memref<64x128xf32, #tpu.memory_space<vmem>> -> memref<8x128xf32, #tpu.memory_space<vmem>>
      %dma_start3A_351 = arith.constant 0 : i32
      %dma_start3A_352 = arith.constant 0 : i32
      %dma_start3A_353 = tpu.memref_slice %arg4[%add3A_347, %dma_start3A_351, %dma_start3A_352] : memref<51200x8x128xf32, #tpu.memory_space<hbm>> -> memref<1x8x128xf32, #tpu.memory_space<hbm>>
      %dma_start3A_354 = tpu.memref_squeeze %dma_start3A_353 : memref<1x8x128xf32, #tpu.memory_space<hbm>> -> memref<8x128xf32, #tpu.memory_space<hbm>>
      %dma_start3A_355 = arith.constant 0 : i32
      %dma_start3A_356 = arith.constant 0 : i32
      %dma_start3A_357 = tpu.memref_slice %arg4[%add3A_347, %dma_start3A_355, %dma_start3A_356] : memref<51200x8x128xf32, #tpu.memory_space<hbm>> -> memref<1x8x128xf32, #tpu.memory_space<hbm>>
      %dma_start3A_358 = tpu.memref_squeeze %dma_start3A_357 : memref<1x8x128xf32, #tpu.memory_space<hbm>> -> memref<8x128xf32, #tpu.memory_space<hbm>>
      %dma_start3A_359 = arith.constant 0 : i32
      %dma_start3A_360 = arith.constant 0 : i32
      %dma_start3A_361 = tpu.memref_slice %arg8[%dma_start3A_359, %dma_start3A_360] : memref<64x128xf32, #tpu.memory_space<vmem>> -> memref<8x128xf32, #tpu.memory_space<vmem>>
      tpu.enqueue_dma source(%dma_start3A_361 : memref<8x128xf32, #tpu.memory_space<vmem>>) target(%dma_start3A_358 : memref<8x128xf32, #tpu.memory_space<hbm>>) target_semaphore(%arg12 : memref<!tpu.dma_semaphore, #tpu.memory_space<semaphore_mem>>)
      %mul3A_362 = arith.constant 1024 : i32
      %mul3A_363 = arith.muli %sub3A_281, %mul3A_362 : i32
      %add3A_364 = arith.constant 128 : i32
      %add3A_365 = arith.addi %mul3A_363, %add3A_364 : i32
      %add3A_366 = arith.addi %add3A_365, %add3A_284 : i32
      %dma_start3A_367 = arith.constant 8 : i32
      %dma_start3A_368 = arith.constant 0 : i32
      %dma_start3A_369 = tpu.memref_slice %arg8[%dma_start3A_367, %dma_start3A_368] : memref<64x128xf32, #tpu.memory_space<vmem>> -> memref<8x128xf32, #tpu.memory_space<vmem>>
      %dma_start3A_370 = arith.constant 0 : i32
      %dma_start3A_371 = arith.constant 0 : i32
      %dma_start3A_372 = tpu.memref_slice %arg4[%add3A_366, %dma_start3A_370, %dma_start3A_371] : memref<51200x8x128xf32, #tpu.memory_space<hbm>> -> memref<1x8x128xf32, #tpu.memory_space<hbm>>
      %dma_start3A_373 = tpu.memref_squeeze %dma_start3A_372 : memref<1x8x128xf32, #tpu.memory_space<hbm>> -> memref<8x128xf32, #tpu.memory_space<hbm>>
      %dma_start3A_374 = arith.constant 0 : i32
      %dma_start3A_375 = arith.constant 0 : i32
      %dma_start3A_376 = tpu.memref_slice %arg4[%add3A_366, %dma_start3A_374, %dma_start3A_375] : memref<51200x8x128xf32, #tpu.memory_space<hbm>> -> memref<1x8x128xf32, #tpu.memory_space<hbm>>
      %dma_start3A_377 = tpu.memref_squeeze %dma_start3A_376 : memref<1x8x128xf32, #tpu.memory_space<hbm>> -> memref<8x128xf32, #tpu.memory_space<hbm>>
      %dma_start3A_378 = arith.constant 8 : i32
      %dma_start3A_379 = arith.constant 0 : i32
      %dma_start3A_380 = tpu.memref_slice %arg8[%dma_start3A_378, %dma_start3A_379] : memref<64x128xf32, #tpu.memory_space<vmem>> -> memref<8x128xf32, #tpu.memory_space<vmem>>
      tpu.enqueue_dma source(%dma_start3A_380 : memref<8x128xf32, #tpu.memory_space<vmem>>) target(%dma_start3A_377 : memref<8x128xf32, #tpu.memory_space<hbm>>) target_semaphore(%arg12 : memref<!tpu.dma_semaphore, #tpu.memory_space<semaphore_mem>>)
      %mul3A_381 = arith.constant 1024 : i32
      %mul3A_382 = arith.muli %sub3A_281, %mul3A_381 : i32
      %add3A_383 = arith.constant 256 : i32
      %add3A_384 = arith.addi %mul3A_382, %add3A_383 : i32
      %add3A_385 = arith.addi %add3A_384, %add3A_284 : i32
      %dma_start3A_386 = arith.constant 16 : i32
      %dma_start3A_387 = arith.constant 0 : i32
      %dma_start3A_388 = tpu.memref_slice %arg8[%dma_start3A_386, %dma_start3A_387] : memref<64x128xf32, #tpu.memory_space<vmem>> -> memref<8x128xf32, #tpu.memory_space<vmem>>
      %dma_start3A_389 = arith.constant 0 : i32
      %dma_start3A_390 = arith.constant 0 : i32
      %dma_start3A_391 = tpu.memref_slice %arg4[%add3A_385, %dma_start3A_389, %dma_start3A_390] : memref<51200x8x128xf32, #tpu.memory_space<hbm>> -> memref<1x8x128xf32, #tpu.memory_space<hbm>>
      %dma_start3A_392 = tpu.memref_squeeze %dma_start3A_391 : memref<1x8x128xf32, #tpu.memory_space<hbm>> -> memref<8x128xf32, #tpu.memory_space<hbm>>
      %dma_start3A_393 = arith.constant 0 : i32
      %dma_start3A_394 = arith.constant 0 : i32
      %dma_start3A_395 = tpu.memref_slice %arg4[%add3A_385, %dma_start3A_393, %dma_start3A_394] : memref<51200x8x128xf32, #tpu.memory_space<hbm>> -> memref<1x8x128xf32, #tpu.memory_space<hbm>>
      %dma_start3A_396 = tpu.memref_squeeze %dma_start3A_395 : memref<1x8x128xf32, #tpu.memory_space<hbm>> -> memref<8x128xf32, #tpu.memory_space<hbm>>
      %dma_start3A_397 = arith.constant 16 : i32
      %dma_start3A_398 = arith.constant 0 : i32
      %dma_start3A_399 = tpu.memref_slice %arg8[%dma_start3A_397, %dma_start3A_398] : memref<64x128xf32, #tpu.memory_space<vmem>> -> memref<8x128xf32, #tpu.memory_space<vmem>>
      tpu.enqueue_dma source(%dma_start3A_399 : memref<8x128xf32, #tpu.memory_space<vmem>>) target(%dma_start3A_396 : memref<8x128xf32, #tpu.memory_space<hbm>>) target_semaphore(%arg12 : memref<!tpu.dma_semaphore, #tpu.memory_space<semaphore_mem>>)
      %mul3A_400 = arith.constant 1024 : i32
      %mul3A_401 = arith.muli %sub3A_281, %mul3A_400 : i32
      %add3A_402 = arith.constant 384 : i32
      %add3A_403 = arith.addi %mul3A_401, %add3A_402 : i32
      %add3A_404 = arith.addi %add3A_403, %add3A_284 : i32
      %dma_start3A_405 = arith.constant 24 : i32
      %dma_start3A_406 = arith.constant 0 : i32
      %dma_start3A_407 = tpu.memref_slice %arg8[%dma_start3A_405, %dma_start3A_406] : memref<64x128xf32, #tpu.memory_space<vmem>> -> memref<8x128xf32, #tpu.memory_space<vmem>>
      %dma_start3A_408 = arith.constant 0 : i32
      %dma_start3A_409 = arith.constant 0 : i32
      %dma_start3A_410 = tpu.memref_slice %arg4[%add3A_404, %dma_start3A_408, %dma_start3A_409] : memref<51200x8x128xf32, #tpu.memory_space<hbm>> -> memref<1x8x128xf32, #tpu.memory_space<hbm>>
      %dma_start3A_411 = tpu.memref_squeeze %dma_start3A_410 : memref<1x8x128xf32, #tpu.memory_space<hbm>> -> memref<8x128xf32, #tpu.memory_space<hbm>>
      %dma_start3A_412 = arith.constant 0 : i32
      %dma_start3A_413 = arith.constant 0 : i32
      %dma_start3A_414 = tpu.memref_slice %arg4[%add3A_404, %dma_start3A_412, %dma_start3A_413] : memref<51200x8x128xf32, #tpu.memory_space<hbm>> -> memref<1x8x128xf32, #tpu.memory_space<hbm>>
      %dma_start3A_415 = tpu.memref_squeeze %dma_start3A_414 : memref<1x8x128xf32, #tpu.memory_space<hbm>> -> memref<8x128xf32, #tpu.memory_space<hbm>>
      %dma_start3A_416 = arith.constant 24 : i32
      %dma_start3A_417 = arith.constant 0 : i32
      %dma_start3A_418 = tpu.memref_slice %arg8[%dma_start3A_416, %dma_start3A_417] : memref<64x128xf32, #tpu.memory_space<vmem>> -> memref<8x128xf32, #tpu.memory_space<vmem>>
      tpu.enqueue_dma source(%dma_start3A_418 : memref<8x128xf32, #tpu.memory_space<vmem>>) target(%dma_start3A_415 : memref<8x128xf32, #tpu.memory_space<hbm>>) target_semaphore(%arg12 : memref<!tpu.dma_semaphore, #tpu.memory_space<semaphore_mem>>)
      %mul3A_419 = arith.constant 1024 : i32
      %mul3A_420 = arith.muli %sub3A_281, %mul3A_419 : i32
      %add3A_421 = arith.constant 512 : i32
      %add3A_422 = arith.addi %mul3A_420, %add3A_421 : i32
      %add3A_423 = arith.addi %add3A_422, %add3A_284 : i32
      %dma_start3A_424 = arith.constant 32 : i32
      %dma_start3A_425 = arith.constant 0 : i32
      %dma_start3A_426 = tpu.memref_slice %arg8[%dma_start3A_424, %dma_start3A_425] : memref<64x128xf32, #tpu.memory_space<vmem>> -> memref<8x128xf32, #tpu.memory_space<vmem>>
      %dma_start3A_427 = arith.constant 0 : i32
      %dma_start3A_428 = arith.constant 0 : i32
      %dma_start3A_429 = tpu.memref_slice %arg4[%add3A_423, %dma_start3A_427, %dma_start3A_428] : memref<51200x8x128xf32, #tpu.memory_space<hbm>> -> memref<1x8x128xf32, #tpu.memory_space<hbm>>
      %dma_start3A_430 = tpu.memref_squeeze %dma_start3A_429 : memref<1x8x128xf32, #tpu.memory_space<hbm>> -> memref<8x128xf32, #tpu.memory_space<hbm>>
      %dma_start3A_431 = arith.constant 0 : i32
      %dma_start3A_432 = arith.constant 0 : i32
      %dma_start3A_433 = tpu.memref_slice %arg4[%add3A_423, %dma_start3A_431, %dma_start3A_432] : memref<51200x8x128xf32, #tpu.memory_space<hbm>> -> memref<1x8x128xf32, #tpu.memory_space<hbm>>
      %dma_start3A_434 = tpu.memref_squeeze %dma_start3A_433 : memref<1x8x128xf32, #tpu.memory_space<hbm>> -> memref<8x128xf32, #tpu.memory_space<hbm>>
      %dma_start3A_435 = arith.constant 32 : i32
      %dma_start3A_436 = arith.constant 0 : i32
      %dma_start3A_437 = tpu.memref_slice %arg8[%dma_start3A_435, %dma_start3A_436] : memref<64x128xf32, #tpu.memory_space<vmem>> -> memref<8x128xf32, #tpu.memory_space<vmem>>
      tpu.enqueue_dma source(%dma_start3A_437 : memref<8x128xf32, #tpu.memory_space<vmem>>) target(%dma_start3A_434 : memref<8x128xf32, #tpu.memory_space<hbm>>) target_semaphore(%arg12 : memref<!tpu.dma_semaphore, #tpu.memory_space<semaphore_mem>>)
      %mul3A_438 = arith.constant 1024 : i32
      %mul3A_439 = arith.muli %sub3A_281, %mul3A_438 : i32
      %add3A_440 = arith.constant 640 : i32
      %add3A_441 = arith.addi %mul3A_439, %add3A_440 : i32
      %add3A_442 = arith.addi %add3A_441, %add3A_284 : i32
      %dma_start3A_443 = arith.constant 40 : i32
      %dma_start3A_444 = arith.constant 0 : i32
      %dma_start3A_445 = tpu.memref_slice %arg8[%dma_start3A_443, %dma_start3A_444] : memref<64x128xf32, #tpu.memory_space<vmem>> -> memref<8x128xf32, #tpu.memory_space<vmem>>
      %dma_start3A_446 = arith.constant 0 : i32
      %dma_start3A_447 = arith.constant 0 : i32
      %dma_start3A_448 = tpu.memref_slice %arg4[%add3A_442, %dma_start3A_446, %dma_start3A_447] : memref<51200x8x128xf32, #tpu.memory_space<hbm>> -> memref<1x8x128xf32, #tpu.memory_space<hbm>>
      %dma_start3A_449 = tpu.memref_squeeze %dma_start3A_448 : memref<1x8x128xf32, #tpu.memory_space<hbm>> -> memref<8x128xf32, #tpu.memory_space<hbm>>
      %dma_start3A_450 = arith.constant 0 : i32
      %dma_start3A_451 = arith.constant 0 : i32
      %dma_start3A_452 = tpu.memref_slice %arg4[%add3A_442, %dma_start3A_450, %dma_start3A_451] : memref<51200x8x128xf32, #tpu.memory_space<hbm>> -> memref<1x8x128xf32, #tpu.memory_space<hbm>>
      %dma_start3A_453 = tpu.memref_squeeze %dma_start3A_452 : memref<1x8x128xf32, #tpu.memory_space<hbm>> -> memref<8x128xf32, #tpu.memory_space<hbm>>
      %dma_start3A_454 = arith.constant 40 : i32
      %dma_start3A_455 = arith.constant 0 : i32
      %dma_start3A_456 = tpu.memref_slice %arg8[%dma_start3A_454, %dma_start3A_455] : memref<64x128xf32, #tpu.memory_space<vmem>> -> memref<8x128xf32, #tpu.memory_space<vmem>>
      tpu.enqueue_dma source(%dma_start3A_456 : memref<8x128xf32, #tpu.memory_space<vmem>>) target(%dma_start3A_453 : memref<8x128xf32, #tpu.memory_space<hbm>>) target_semaphore(%arg12 : memref<!tpu.dma_semaphore, #tpu.memory_space<semaphore_mem>>)
      %mul3A_457 = arith.constant 1024 : i32
      %mul3A_458 = arith.muli %sub3A_281, %mul3A_457 : i32
      %add3A_459 = arith.constant 768 : i32
      %add3A_460 = arith.addi %mul3A_458, %add3A_459 : i32
      %add3A_461 = arith.addi %add3A_460, %add3A_284 : i32
      %dma_start3A_462 = arith.constant 48 : i32
      %dma_start3A_463 = arith.constant 0 : i32
      %dma_start3A_464 = tpu.memref_slice %arg8[%dma_start3A_462, %dma_start3A_463] : memref<64x128xf32, #tpu.memory_space<vmem>> -> memref<8x128xf32, #tpu.memory_space<vmem>>
      %dma_start3A_465 = arith.constant 0 : i32
      %dma_start3A_466 = arith.constant 0 : i32
      %dma_start3A_467 = tpu.memref_slice %arg4[%add3A_461, %dma_start3A_465, %dma_start3A_466] : memref<51200x8x128xf32, #tpu.memory_space<hbm>> -> memref<1x8x128xf32, #tpu.memory_space<hbm>>
      %dma_start3A_468 = tpu.memref_squeeze %dma_start3A_467 : memref<1x8x128xf32, #tpu.memory_space<hbm>> -> memref<8x128xf32, #tpu.memory_space<hbm>>
      %dma_start3A_469 = arith.constant 0 : i32
      %dma_start3A_470 = arith.constant 0 : i32
      %dma_start3A_471 = tpu.memref_slice %arg4[%add3A_461, %dma_start3A_469, %dma_start3A_470] : memref<51200x8x128xf32, #tpu.memory_space<hbm>> -> memref<1x8x128xf32, #tpu.memory_space<hbm>>
      %dma_start3A_472 = tpu.memref_squeeze %dma_start3A_471 : memref<1x8x128xf32, #tpu.memory_space<hbm>> -> memref<8x128xf32, #tpu.memory_space<hbm>>
      %dma_start3A_473 = arith.constant 48 : i32
      %dma_start3A_474 = arith.constant 0 : i32
      %dma_start3A_475 = tpu.memref_slice %arg8[%dma_start3A_473, %dma_start3A_474] : memref<64x128xf32, #tpu.memory_space<vmem>> -> memref<8x128xf32, #tpu.memory_space<vmem>>
      tpu.enqueue_dma source(%dma_start3A_475 : memref<8x128xf32, #tpu.memory_space<vmem>>) target(%dma_start3A_472 : memref<8x128xf32, #tpu.memory_space<hbm>>) target_semaphore(%arg12 : memref<!tpu.dma_semaphore, #tpu.memory_space<semaphore_mem>>)
      %mul3A_476 = arith.constant 1024 : i32
      %mul3A_477 = arith.muli %sub3A_281, %mul3A_476 : i32
      %add3A_478 = arith.constant 896 : i32
      %add3A_479 = arith.addi %mul3A_477, %add3A_478 : i32
      %add3A_480 = arith.addi %add3A_479, %add3A_284 : i32
      %dma_start3A_481 = arith.constant 56 : i32
      %dma_start3A_482 = arith.constant 0 : i32
      %dma_start3A_483 = tpu.memref_slice %arg8[%dma_start3A_481, %dma_start3A_482] : memref<64x128xf32, #tpu.memory_space<vmem>> -> memref<8x128xf32, #tpu.memory_space<vmem>>
      %dma_start3A_484 = arith.constant 0 : i32
      %dma_start3A_485 = arith.constant 0 : i32
      %dma_start3A_486 = tpu.memref_slice %arg4[%add3A_480, %dma_start3A_484, %dma_start3A_485] : memref<51200x8x128xf32, #tpu.memory_space<hbm>> -> memref<1x8x128xf32, #tpu.memory_space<hbm>>
      %dma_start3A_487 = tpu.memref_squeeze %dma_start3A_486 : memref<1x8x128xf32, #tpu.memory_space<hbm>> -> memref<8x128xf32, #tpu.memory_space<hbm>>
      %dma_start3A_488 = arith.constant 0 : i32
      %dma_start3A_489 = arith.constant 0 : i32
      %dma_start3A_490 = tpu.memref_slice %arg4[%add3A_480, %dma_start3A_488, %dma_start3A_489] : memref<51200x8x128xf32, #tpu.memory_space<hbm>> -> memref<1x8x128xf32, #tpu.memory_space<hbm>>
      %dma_start3A_491 = tpu.memref_squeeze %dma_start3A_490 : memref<1x8x128xf32, #tpu.memory_space<hbm>> -> memref<8x128xf32, #tpu.memory_space<hbm>>
      %dma_start3A_492 = arith.constant 56 : i32
      %dma_start3A_493 = arith.constant 0 : i32
      %dma_start3A_494 = tpu.memref_slice %arg8[%dma_start3A_492, %dma_start3A_493] : memref<64x128xf32, #tpu.memory_space<vmem>> -> memref<8x128xf32, #tpu.memory_space<vmem>>
      tpu.enqueue_dma source(%dma_start3A_494 : memref<8x128xf32, #tpu.memory_space<vmem>>) target(%dma_start3A_491 : memref<8x128xf32, #tpu.memory_space<hbm>>) target_semaphore(%arg12 : memref<!tpu.dma_semaphore, #tpu.memory_space<semaphore_mem>>)
      %add3A_495 = arith.constant 2 : i32
      %add3A_496 = arith.addi %add3A_262, %add3A_495 : i32
      %lt3A = arith.constant 200 : i32
      %lt3A_497 = arith.cmpi slt, %add3A_496, %lt3A : i32
      %convert_element_type3A_498 = arith.extui %lt3A_497 : i1 to i32
      %cond3A_499 = arith.constant 0 : i32
      %cond3A_500 = arith.cmpi ne, %convert_element_type3A_498, %cond3A_499 : i32
      scf.if %cond3A_500 {
        %add3A_759 = arith.constant 2 : i32
        %add3A_760 = arith.addi %add3A_262, %add3A_759 : i32
        %dma_start3A_761 = arith.constant 0 : i32
        %dma_start3A_762 = tpu.memref_slice %arg5[%add3A_760, %dma_start3A_761] : memref<200x128xi32, #tpu.memory_space<vmem>> -> memref<1x128xi32, #tpu.memory_space<vmem>>
        %dma_start3A_763 = tpu.memref_squeeze %dma_start3A_762 : memref<1x128xi32, #tpu.memory_space<vmem>> -> memref<128xi32, #tpu.memory_space<vmem>>
        %dma_start3A_764 = arith.constant 0 : i32
        %dma_start3A_765 = arith.constant 0 : i32
        %dma_start3A_766 = tpu.memref_slice %arg3[%dma_start3A_764, %dma_start3A_765] : memref<1000000x64xf32, #tpu.memory_space<hbm>> -> memref<1000000x64xf32, #tpu.memory_space<hbm>>
        tpu.enqueue_indirect_dma source(%dma_start3A_766 : memref<1000000x64xf32, #tpu.memory_space<hbm>>) target(%arg6 : memref<128x64xf32, #tpu.memory_space<vmem>>) offsets(%dma_start3A_763 : memref<128xi32, #tpu.memory_space<vmem>>) semaphore(%arg10 : memref<!tpu.dma_semaphore, #tpu.memory_space<semaphore_mem>>)
      } else {
      }
      %mul3A_501 = arith.constant 2 : i32
      %mul3A_502 = arith.muli %mul3A_501, %scan3A_258 : i32
      %add3A_503 = arith.constant 1 : i32
      %add3A_504 = arith.addi %mul3A_502, %add3A_503 : i32
      %jit3A_505 = arith.constant 50 : i32
      %div3A_506 = arith.divsi %add3A_504, %jit3A_505 : i32
      %sign3A_507 = arith.constant 0 : i32
      %sign3A_508 = arith.cmpi sgt, %add3A_504, %sign3A_507 : i32
      %sign3A_509 = arith.extui %sign3A_508 : i1 to i32
      %sign3A_510 = arith.constant 0 : i32
      %sign3A_511 = arith.cmpi slt, %add3A_504, %sign3A_510 : i32
      %sign3A_512 = arith.extui %sign3A_511 : i1 to i32
      %sign3A_513 = arith.subi %sign3A_509, %sign3A_512 : i32
      %sign3A_514 = arith.constant 0 : i32
      %sign3A_515 = arith.cmpi sgt, %jit3A_505, %sign3A_514 : i32
      %sign3A_516 = arith.extui %sign3A_515 : i1 to i32
      %sign3A_517 = arith.constant 0 : i32
      %sign3A_518 = arith.cmpi slt, %jit3A_505, %sign3A_517 : i32
      %sign3A_519 = arith.extui %sign3A_518 : i1 to i32
      %sign3A_520 = arith.subi %sign3A_516, %sign3A_519 : i32
      %ne3A_521 = arith.cmpi ne, %sign3A_513, %sign3A_520 : i32
      %rem3A_522 = arith.remsi %add3A_504, %jit3A_505 : i32
      %ne3A_523 = arith.constant 0 : i32
      %ne3A_524 = arith.cmpi ne, %rem3A_522, %ne3A_523 : i32
      %and3A_525 = arith.andi %ne3A_521, %ne3A_524 : i1
      %sub3A_526 = arith.constant 1 : i32
      %sub3A_527 = arith.subi %div3A_506, %sub3A_526 : i32
      %select_n3A_528 = arith.select %and3A_525, %sub3A_527, %div3A_506 : i32
      %mul3A_529 = arith.constant 50 : i32
      %mul3A_530 = arith.muli %select_n3A_528, %mul3A_529 : i32
      %sub3A_531 = arith.subi %add3A_504, %mul3A_530 : i32
      %mul3A_532 = arith.constant 4 : i32
      %mul3A_533 = arith.muli %mul3A_532, %add3A : i32
      %add3A_534 = arith.addi %mul3A_533, %select_n3A_528 : i32
      %dma_wait3A_535 = arith.constant 0 : i32
      %dma_wait3A_536 = arith.constant 0 : i32
      %dma_wait3A_537 = tpu.memref_slice %arg3[%dma_wait3A_535, %dma_wait3A_536] : memref<1000000x64xf32, #tpu.memory_space<hbm>> -> memref<128x64xf32, #tpu.memory_space<hbm>>
      %dma_wait3A_538 = arith.constant 0 : i32
      %dma_wait3A_539 = arith.constant 0 : i32
      %dma_wait3A_540 = tpu.memref_slice %arg3[%dma_wait3A_538, %dma_wait3A_539] : memref<1000000x64xf32, #tpu.memory_space<hbm>> -> memref<128x64xf32, #tpu.memory_space<hbm>>
      tpu.wait_dma2 semaphore(%arg11 : memref<!tpu.dma_semaphore, #tpu.memory_space<semaphore_mem>>) src(%dma_wait3A_540 : memref<128x64xf32, #tpu.memory_space<hbm>>) dst(%arg7 : memref<128x64xf32, #tpu.memory_space<vmem>>)
      %ge3A_541 = arith.constant 1 : i32
      %ge3A_542 = arith.cmpi sge, %scan3A_258, %ge3A_541 : i32
      %convert_element_type3A_543 = arith.extui %ge3A_542 : i1 to i32
      %cond3A_544 = arith.constant 0 : i32
      %cond3A_545 = arith.cmpi ne, %convert_element_type3A_543, %cond3A_544 : i32
      scf.if %cond3A_545 {
        %dma_wait3A_759 = arith.constant 0 : i32
        %dma_wait3A_760 = arith.constant 0 : i32
        %dma_wait3A_761 = arith.constant 0 : i32
        %dma_wait3A_762 = tpu.memref_slice %arg9[%dma_wait3A_760, %dma_wait3A_761] : memref<64x128xf32, #tpu.memory_space<vmem>> -> memref<8x128xf32, #tpu.memory_space<vmem>>
        %dma_wait3A_763 = arith.constant 0 : i32
        %dma_wait3A_764 = arith.constant 0 : i32
        %dma_wait3A_765 = tpu.memref_slice %arg4[%dma_wait3A_759, %dma_wait3A_763, %dma_wait3A_764] : memref<51200x8x128xf32, #tpu.memory_space<hbm>> -> memref<1x8x128xf32, #tpu.memory_space<hbm>>
        %dma_wait3A_766 = tpu.memref_squeeze %dma_wait3A_765 : memref<1x8x128xf32, #tpu.memory_space<hbm>> -> memref<8x128xf32, #tpu.memory_space<hbm>>
        %dma_wait3A_767 = arith.constant 0 : i32
        %dma_wait3A_768 = arith.constant 0 : i32
        %dma_wait3A_769 = tpu.memref_slice %arg4[%dma_wait3A_759, %dma_wait3A_767, %dma_wait3A_768] : memref<51200x8x128xf32, #tpu.memory_space<hbm>> -> memref<1x8x128xf32, #tpu.memory_space<hbm>>
        %dma_wait3A_770 = tpu.memref_squeeze %dma_wait3A_769 : memref<1x8x128xf32, #tpu.memory_space<hbm>> -> memref<8x128xf32, #tpu.memory_space<hbm>>
        %dma_wait3A_771 = arith.constant 0 : i32
        %dma_wait3A_772 = arith.constant 0 : i32
        %dma_wait3A_773 = tpu.memref_slice %arg9[%dma_wait3A_771, %dma_wait3A_772] : memref<64x128xf32, #tpu.memory_space<vmem>> -> memref<8x128xf32, #tpu.memory_space<vmem>>
        tpu.wait_dma2 semaphore(%arg13 : memref<!tpu.dma_semaphore, #tpu.memory_space<semaphore_mem>>) src(%dma_wait3A_773 : memref<8x128xf32, #tpu.memory_space<vmem>>) dst(%dma_wait3A_770 : memref<8x128xf32, #tpu.memory_space<hbm>>)
        %dma_wait3A_774 = arith.constant 0 : i32
        %dma_wait3A_775 = arith.constant 8 : i32
        %dma_wait3A_776 = arith.constant 0 : i32
        %dma_wait3A_777 = tpu.memref_slice %arg9[%dma_wait3A_775, %dma_wait3A_776] : memref<64x128xf32, #tpu.memory_space<vmem>> -> memref<8x128xf32, #tpu.memory_space<vmem>>
        %dma_wait3A_778 = arith.constant 0 : i32
        %dma_wait3A_779 = arith.constant 0 : i32
        %dma_wait3A_780 = tpu.memref_slice %arg4[%dma_wait3A_774, %dma_wait3A_778, %dma_wait3A_779] : memref<51200x8x128xf32, #tpu.memory_space<hbm>> -> memref<1x8x128xf32, #tpu.memory_space<hbm>>
        %dma_wait3A_781 = tpu.memref_squeeze %dma_wait3A_780 : memref<1x8x128xf32, #tpu.memory_space<hbm>> -> memref<8x128xf32, #tpu.memory_space<hbm>>
        %dma_wait3A_782 = arith.constant 0 : i32
        %dma_wait3A_783 = arith.constant 0 : i32
        %dma_wait3A_784 = tpu.memref_slice %arg4[%dma_wait3A_774, %dma_wait3A_782, %dma_wait3A_783] : memref<51200x8x128xf32, #tpu.memory_space<hbm>> -> memref<1x8x128xf32, #tpu.memory_space<hbm>>
        %dma_wait3A_785 = tpu.memref_squeeze %dma_wait3A_784 : memref<1x8x128xf32, #tpu.memory_space<hbm>> -> memref<8x128xf32, #tpu.memory_space<hbm>>
        %dma_wait3A_786 = arith.constant 8 : i32
        %dma_wait3A_787 = arith.constant 0 : i32
        %dma_wait3A_788 = tpu.memref_slice %arg9[%dma_wait3A_786, %dma_wait3A_787] : memref<64x128xf32, #tpu.memory_space<vmem>> -> memref<8x128xf32, #tpu.memory_space<vmem>>
        tpu.wait_dma2 semaphore(%arg13 : memref<!tpu.dma_semaphore, #tpu.memory_space<semaphore_mem>>) src(%dma_wait3A_788 : memref<8x128xf32, #tpu.memory_space<vmem>>) dst(%dma_wait3A_785 : memref<8x128xf32, #tpu.memory_space<hbm>>)
        %dma_wait3A_789 = arith.constant 0 : i32
        %dma_wait3A_790 = arith.constant 16 : i32
        %dma_wait3A_791 = arith.constant 0 : i32
        %dma_wait3A_792 = tpu.memref_slice %arg9[%dma_wait3A_790, %dma_wait3A_791] : memref<64x128xf32, #tpu.memory_space<vmem>> -> memref<8x128xf32, #tpu.memory_space<vmem>>
        %dma_wait3A_793 = arith.constant 0 : i32
        %dma_wait3A_794 = arith.constant 0 : i32
        %dma_wait3A_795 = tpu.memref_slice %arg4[%dma_wait3A_789, %dma_wait3A_793, %dma_wait3A_794] : memref<51200x8x128xf32, #tpu.memory_space<hbm>> -> memref<1x8x128xf32, #tpu.memory_space<hbm>>
        %dma_wait3A_796 = tpu.memref_squeeze %dma_wait3A_795 : memref<1x8x128xf32, #tpu.memory_space<hbm>> -> memref<8x128xf32, #tpu.memory_space<hbm>>
        %dma_wait3A_797 = arith.constant 0 : i32
        %dma_wait3A_798 = arith.constant 0 : i32
        %dma_wait3A_799 = tpu.memref_slice %arg4[%dma_wait3A_789, %dma_wait3A_797, %dma_wait3A_798] : memref<51200x8x128xf32, #tpu.memory_space<hbm>> -> memref<1x8x128xf32, #tpu.memory_space<hbm>>
        %dma_wait3A_800 = tpu.memref_squeeze %dma_wait3A_799 : memref<1x8x128xf32, #tpu.memory_space<hbm>> -> memref<8x128xf32, #tpu.memory_space<hbm>>
        %dma_wait3A_801 = arith.constant 16 : i32
        %dma_wait3A_802 = arith.constant 0 : i32
        %dma_wait3A_803 = tpu.memref_slice %arg9[%dma_wait3A_801, %dma_wait3A_802] : memref<64x128xf32, #tpu.memory_space<vmem>> -> memref<8x128xf32, #tpu.memory_space<vmem>>
        tpu.wait_dma2 semaphore(%arg13 : memref<!tpu.dma_semaphore, #tpu.memory_space<semaphore_mem>>) src(%dma_wait3A_803 : memref<8x128xf32, #tpu.memory_space<vmem>>) dst(%dma_wait3A_800 : memref<8x128xf32, #tpu.memory_space<hbm>>)
        %dma_wait3A_804 = arith.constant 0 : i32
        %dma_wait3A_805 = arith.constant 24 : i32
        %dma_wait3A_806 = arith.constant 0 : i32
        %dma_wait3A_807 = tpu.memref_slice %arg9[%dma_wait3A_805, %dma_wait3A_806] : memref<64x128xf32, #tpu.memory_space<vmem>> -> memref<8x128xf32, #tpu.memory_space<vmem>>
        %dma_wait3A_808 = arith.constant 0 : i32
        %dma_wait3A_809 = arith.constant 0 : i32
        %dma_wait3A_810 = tpu.memref_slice %arg4[%dma_wait3A_804, %dma_wait3A_808, %dma_wait3A_809] : memref<51200x8x128xf32, #tpu.memory_space<hbm>> -> memref<1x8x128xf32, #tpu.memory_space<hbm>>
        %dma_wait3A_811 = tpu.memref_squeeze %dma_wait3A_810 : memref<1x8x128xf32, #tpu.memory_space<hbm>> -> memref<8x128xf32, #tpu.memory_space<hbm>>
        %dma_wait3A_812 = arith.constant 0 : i32
        %dma_wait3A_813 = arith.constant 0 : i32
        %dma_wait3A_814 = tpu.memref_slice %arg4[%dma_wait3A_804, %dma_wait3A_812, %dma_wait3A_813] : memref<51200x8x128xf32, #tpu.memory_space<hbm>> -> memref<1x8x128xf32, #tpu.memory_space<hbm>>
        %dma_wait3A_815 = tpu.memref_squeeze %dma_wait3A_814 : memref<1x8x128xf32, #tpu.memory_space<hbm>> -> memref<8x128xf32, #tpu.memory_space<hbm>>
        %dma_wait3A_816 = arith.constant 24 : i32
        %dma_wait3A_817 = arith.constant 0 : i32
        %dma_wait3A_818 = tpu.memref_slice %arg9[%dma_wait3A_816, %dma_wait3A_817] : memref<64x128xf32, #tpu.memory_space<vmem>> -> memref<8x128xf32, #tpu.memory_space<vmem>>
        tpu.wait_dma2 semaphore(%arg13 : memref<!tpu.dma_semaphore, #tpu.memory_space<semaphore_mem>>) src(%dma_wait3A_818 : memref<8x128xf32, #tpu.memory_space<vmem>>) dst(%dma_wait3A_815 : memref<8x128xf32, #tpu.memory_space<hbm>>)
        %dma_wait3A_819 = arith.constant 0 : i32
        %dma_wait3A_820 = arith.constant 32 : i32
        %dma_wait3A_821 = arith.constant 0 : i32
        %dma_wait3A_822 = tpu.memref_slice %arg9[%dma_wait3A_820, %dma_wait3A_821] : memref<64x128xf32, #tpu.memory_space<vmem>> -> memref<8x128xf32, #tpu.memory_space<vmem>>
        %dma_wait3A_823 = arith.constant 0 : i32
        %dma_wait3A_824 = arith.constant 0 : i32
        %dma_wait3A_825 = tpu.memref_slice %arg4[%dma_wait3A_819, %dma_wait3A_823, %dma_wait3A_824] : memref<51200x8x128xf32, #tpu.memory_space<hbm>> -> memref<1x8x128xf32, #tpu.memory_space<hbm>>
        %dma_wait3A_826 = tpu.memref_squeeze %dma_wait3A_825 : memref<1x8x128xf32, #tpu.memory_space<hbm>> -> memref<8x128xf32, #tpu.memory_space<hbm>>
        %dma_wait3A_827 = arith.constant 0 : i32
        %dma_wait3A_828 = arith.constant 0 : i32
        %dma_wait3A_829 = tpu.memref_slice %arg4[%dma_wait3A_819, %dma_wait3A_827, %dma_wait3A_828] : memref<51200x8x128xf32, #tpu.memory_space<hbm>> -> memref<1x8x128xf32, #tpu.memory_space<hbm>>
        %dma_wait3A_830 = tpu.memref_squeeze %dma_wait3A_829 : memref<1x8x128xf32, #tpu.memory_space<hbm>> -> memref<8x128xf32, #tpu.memory_space<hbm>>
        %dma_wait3A_831 = arith.constant 32 : i32
        %dma_wait3A_832 = arith.constant 0 : i32
        %dma_wait3A_833 = tpu.memref_slice %arg9[%dma_wait3A_831, %dma_wait3A_832] : memref<64x128xf32, #tpu.memory_space<vmem>> -> memref<8x128xf32, #tpu.memory_space<vmem>>
        tpu.wait_dma2 semaphore(%arg13 : memref<!tpu.dma_semaphore, #tpu.memory_space<semaphore_mem>>) src(%dma_wait3A_833 : memref<8x128xf32, #tpu.memory_space<vmem>>) dst(%dma_wait3A_830 : memref<8x128xf32, #tpu.memory_space<hbm>>)
        %dma_wait3A_834 = arith.constant 0 : i32
        %dma_wait3A_835 = arith.constant 40 : i32
        %dma_wait3A_836 = arith.constant 0 : i32
        %dma_wait3A_837 = tpu.memref_slice %arg9[%dma_wait3A_835, %dma_wait3A_836] : memref<64x128xf32, #tpu.memory_space<vmem>> -> memref<8x128xf32, #tpu.memory_space<vmem>>
        %dma_wait3A_838 = arith.constant 0 : i32
        %dma_wait3A_839 = arith.constant 0 : i32
        %dma_wait3A_840 = tpu.memref_slice %arg4[%dma_wait3A_834, %dma_wait3A_838, %dma_wait3A_839] : memref<51200x8x128xf32, #tpu.memory_space<hbm>> -> memref<1x8x128xf32, #tpu.memory_space<hbm>>
        %dma_wait3A_841 = tpu.memref_squeeze %dma_wait3A_840 : memref<1x8x128xf32, #tpu.memory_space<hbm>> -> memref<8x128xf32, #tpu.memory_space<hbm>>
        %dma_wait3A_842 = arith.constant 0 : i32
        %dma_wait3A_843 = arith.constant 0 : i32
        %dma_wait3A_844 = tpu.memref_slice %arg4[%dma_wait3A_834, %dma_wait3A_842, %dma_wait3A_843] : memref<51200x8x128xf32, #tpu.memory_space<hbm>> -> memref<1x8x128xf32, #tpu.memory_space<hbm>>
        %dma_wait3A_845 = tpu.memref_squeeze %dma_wait3A_844 : memref<1x8x128xf32, #tpu.memory_space<hbm>> -> memref<8x128xf32, #tpu.memory_space<hbm>>
        %dma_wait3A_846 = arith.constant 40 : i32
        %dma_wait3A_847 = arith.constant 0 : i32
        %dma_wait3A_848 = tpu.memref_slice %arg9[%dma_wait3A_846, %dma_wait3A_847] : memref<64x128xf32, #tpu.memory_space<vmem>> -> memref<8x128xf32, #tpu.memory_space<vmem>>
        tpu.wait_dma2 semaphore(%arg13 : memref<!tpu.dma_semaphore, #tpu.memory_space<semaphore_mem>>) src(%dma_wait3A_848 : memref<8x128xf32, #tpu.memory_space<vmem>>) dst(%dma_wait3A_845 : memref<8x128xf32, #tpu.memory_space<hbm>>)
        %dma_wait3A_849 = arith.constant 0 : i32
        %dma_wait3A_850 = arith.constant 48 : i32
        %dma_wait3A_851 = arith.constant 0 : i32
        %dma_wait3A_852 = tpu.memref_slice %arg9[%dma_wait3A_850, %dma_wait3A_851] : memref<64x128xf32, #tpu.memory_space<vmem>> -> memref<8x128xf32, #tpu.memory_space<vmem>>
        %dma_wait3A_853 = arith.constant 0 : i32
        %dma_wait3A_854 = arith.constant 0 : i32
        %dma_wait3A_855 = tpu.memref_slice %arg4[%dma_wait3A_849, %dma_wait3A_853, %dma_wait3A_854] : memref<51200x8x128xf32, #tpu.memory_space<hbm>> -> memref<1x8x128xf32, #tpu.memory_space<hbm>>
        %dma_wait3A_856 = tpu.memref_squeeze %dma_wait3A_855 : memref<1x8x128xf32, #tpu.memory_space<hbm>> -> memref<8x128xf32, #tpu.memory_space<hbm>>
        %dma_wait3A_857 = arith.constant 0 : i32
        %dma_wait3A_858 = arith.constant 0 : i32
        %dma_wait3A_859 = tpu.memref_slice %arg4[%dma_wait3A_849, %dma_wait3A_857, %dma_wait3A_858] : memref<51200x8x128xf32, #tpu.memory_space<hbm>> -> memref<1x8x128xf32, #tpu.memory_space<hbm>>
        %dma_wait3A_860 = tpu.memref_squeeze %dma_wait3A_859 : memref<1x8x128xf32, #tpu.memory_space<hbm>> -> memref<8x128xf32, #tpu.memory_space<hbm>>
        %dma_wait3A_861 = arith.constant 48 : i32
        %dma_wait3A_862 = arith.constant 0 : i32
        %dma_wait3A_863 = tpu.memref_slice %arg9[%dma_wait3A_861, %dma_wait3A_862] : memref<64x128xf32, #tpu.memory_space<vmem>> -> memref<8x128xf32, #tpu.memory_space<vmem>>
        tpu.wait_dma2 semaphore(%arg13 : memref<!tpu.dma_semaphore, #tpu.memory_space<semaphore_mem>>) src(%dma_wait3A_863 : memref<8x128xf32, #tpu.memory_space<vmem>>) dst(%dma_wait3A_860 : memref<8x128xf32, #tpu.memory_space<hbm>>)
        %dma_wait3A_864 = arith.constant 0 : i32
        %dma_wait3A_865 = arith.constant 56 : i32
        %dma_wait3A_866 = arith.constant 0 : i32
        %dma_wait3A_867 = tpu.memref_slice %arg9[%dma_wait3A_865, %dma_wait3A_866] : memref<64x128xf32, #tpu.memory_space<vmem>> -> memref<8x128xf32, #tpu.memory_space<vmem>>
        %dma_wait3A_868 = arith.constant 0 : i32
        %dma_wait3A_869 = arith.constant 0 : i32
        %dma_wait3A_870 = tpu.memref_slice %arg4[%dma_wait3A_864, %dma_wait3A_868, %dma_wait3A_869] : memref<51200x8x128xf32, #tpu.memory_space<hbm>> -> memref<1x8x128xf32, #tpu.memory_space<hbm>>
        %dma_wait3A_871 = tpu.memref_squeeze %dma_wait3A_870 : memref<1x8x128xf32, #tpu.memory_space<hbm>> -> memref<8x128xf32, #tpu.memory_space<hbm>>
        %dma_wait3A_872 = arith.constant 0 : i32
        %dma_wait3A_873 = arith.constant 0 : i32
        %dma_wait3A_874 = tpu.memref_slice %arg4[%dma_wait3A_864, %dma_wait3A_872, %dma_wait3A_873] : memref<51200x8x128xf32, #tpu.memory_space<hbm>> -> memref<1x8x128xf32, #tpu.memory_space<hbm>>
        %dma_wait3A_875 = tpu.memref_squeeze %dma_wait3A_874 : memref<1x8x128xf32, #tpu.memory_space<hbm>> -> memref<8x128xf32, #tpu.memory_space<hbm>>
        %dma_wait3A_876 = arith.constant 56 : i32
        %dma_wait3A_877 = arith.constant 0 : i32
        %dma_wait3A_878 = tpu.memref_slice %arg9[%dma_wait3A_876, %dma_wait3A_877] : memref<64x128xf32, #tpu.memory_space<vmem>> -> memref<8x128xf32, #tpu.memory_space<vmem>>
        tpu.wait_dma2 semaphore(%arg13 : memref<!tpu.dma_semaphore, #tpu.memory_space<semaphore_mem>>) src(%dma_wait3A_878 : memref<8x128xf32, #tpu.memory_space<vmem>>) dst(%dma_wait3A_875 : memref<8x128xf32, #tpu.memory_space<hbm>>)
      } else {
      }
      %iota3A_546 = tpu.iota {dimensions = array<i32: 0>} : vector<16xi32>
      %broadcast_in_dim3A_547 = arith.constant 0 : i32
      %broadcast_in_dim3A_548 = vector.broadcast %broadcast_in_dim3A_547 : i32 to vector<16xi32>
      %add3A_549 = arith.constant 0 : i32
      %add3A_550 = vector.broadcast %add3A_549 : i32 to vector<16xi32>
      %add3A_551 = arith.addi %iota3A_546, %add3A_550 : vector<16xi32>
      %shift_left3A_552 = arith.constant 6 : i32
      %shift_left3A_553 = vector.broadcast %shift_left3A_552 : i32 to vector<16xi32>
      %shift_left3A_554 = arith.shli %add3A_551, %shift_left3A_553 : vector<16xi32>
      %add3A_555 = arith.constant 16 : i32
      %add3A_556 = vector.broadcast %add3A_555 : i32 to vector<16xi32>
      %add3A_557 = arith.addi %iota3A_546, %add3A_556 : vector<16xi32>
      %shift_left3A_558 = arith.constant 6 : i32
      %shift_left3A_559 = vector.broadcast %shift_left3A_558 : i32 to vector<16xi32>
      %shift_left3A_560 = arith.shli %add3A_557, %shift_left3A_559 : vector<16xi32>
      %add3A_561 = arith.constant 32 : i32
      %add3A_562 = vector.broadcast %add3A_561 : i32 to vector<16xi32>
      %add3A_563 = arith.addi %iota3A_546, %add3A_562 : vector<16xi32>
      %shift_left3A_564 = arith.constant 6 : i32
      %shift_left3A_565 = vector.broadcast %shift_left3A_564 : i32 to vector<16xi32>
      %shift_left3A_566 = arith.shli %add3A_563, %shift_left3A_565 : vector<16xi32>
      %add3A_567 = arith.constant 48 : i32
      %add3A_568 = vector.broadcast %add3A_567 : i32 to vector<16xi32>
      %add3A_569 = arith.addi %iota3A_546, %add3A_568 : vector<16xi32>
      %shift_left3A_570 = arith.constant 6 : i32
      %shift_left3A_571 = vector.broadcast %shift_left3A_570 : i32 to vector<16xi32>
      %shift_left3A_572 = arith.shli %add3A_569, %shift_left3A_571 : vector<16xi32>
      %add3A_573 = arith.constant 64 : i32
      %add3A_574 = vector.broadcast %add3A_573 : i32 to vector<16xi32>
      %add3A_575 = arith.addi %iota3A_546, %add3A_574 : vector<16xi32>
      %shift_left3A_576 = arith.constant 6 : i32
      %shift_left3A_577 = vector.broadcast %shift_left3A_576 : i32 to vector<16xi32>
      %shift_left3A_578 = arith.shli %add3A_575, %shift_left3A_577 : vector<16xi32>
      %add3A_579 = arith.constant 80 : i32
      %add3A_580 = vector.broadcast %add3A_579 : i32 to vector<16xi32>
      %add3A_581 = arith.addi %iota3A_546, %add3A_580 : vector<16xi32>
      %shift_left3A_582 = arith.constant 6 : i32
      %shift_left3A_583 = vector.broadcast %shift_left3A_582 : i32 to vector<16xi32>
      %shift_left3A_584 = arith.shli %add3A_581, %shift_left3A_583 : vector<16xi32>
      %add3A_585 = arith.constant 96 : i32
      %add3A_586 = vector.broadcast %add3A_585 : i32 to vector<16xi32>
      %add3A_587 = arith.addi %iota3A_546, %add3A_586 : vector<16xi32>
      %shift_left3A_588 = arith.constant 6 : i32
      %shift_left3A_589 = vector.broadcast %shift_left3A_588 : i32 to vector<16xi32>
      %shift_left3A_590 = arith.shli %add3A_587, %shift_left3A_589 : vector<16xi32>
      %add3A_591 = arith.constant 112 : i32
      %add3A_592 = vector.broadcast %add3A_591 : i32 to vector<16xi32>
      %add3A_593 = arith.addi %iota3A_546, %add3A_592 : vector<16xi32>
      %shift_left3A_594 = arith.constant 6 : i32
      %shift_left3A_595 = vector.broadcast %shift_left3A_594 : i32 to vector<16xi32>
      %shift_left3A_596 = arith.shli %add3A_593, %shift_left3A_595 : vector<16xi32>
      %parallel_loop3A_597 = arith.constant 0 : i32
      %parallel_loop3A_598 = arith.constant 64 : i32
      %parallel_loop3A_599 = arith.constant 1 : i32
      scf.for %parallel_loop3A_759 = %parallel_loop3A_597 to %parallel_loop3A_598 step %parallel_loop3A_599  : i32 {
        %parallel_loop3A_760 = vector.broadcast %parallel_loop3A_759 : i32 to vector<16xi32>
        %parallel_loop3A_761 = arith.addi %shift_left3A_554, %parallel_loop3A_760 : vector<16xi32>
        %parallel_loop3A_762 = tpu.vector_load_idx %arg7[%broadcast_in_dim3A_548, %parallel_loop3A_761] : memref<128x64xf32, #tpu.memory_space<vmem>>[vector<16xi32>, vector<16xi32>], vector<16xf32>,
        %parallel_loop3A_763 = arith.index_cast %parallel_loop3A_759 : i32 to index
        %parallel_loop3A_764 = arith.constant 0 : index
        %parallel_loop3A_765 = tpu.vector_load %arg9[%parallel_loop3A_763, %parallel_loop3A_764] {strides = array<i32>} : memref<64x128xf32, #tpu.memory_space<vmem>>, vector<16xf32>,
        tpu.vector_store %arg9[%parallel_loop3A_763, %parallel_loop3A_764], %parallel_loop3A_762 {strides = array<i32>} : memref<64x128xf32, #tpu.memory_space<vmem>>, vector<16xf32>,
        %parallel_loop3A_766 = vector.broadcast %parallel_loop3A_759 : i32 to vector<16xi32>
        %parallel_loop3A_767 = arith.addi %shift_left3A_560, %parallel_loop3A_766 : vector<16xi32>
        %parallel_loop3A_768 = tpu.vector_load_idx %arg7[%broadcast_in_dim3A_548, %parallel_loop3A_767] : memref<128x64xf32, #tpu.memory_space<vmem>>[vector<16xi32>, vector<16xi32>], vector<16xf32>,
        %parallel_loop3A_769 = arith.index_cast %parallel_loop3A_759 : i32 to index
        %parallel_loop3A_770 = arith.constant 16 : index
        %parallel_loop3A_771 = tpu.vector_load %arg9[%parallel_loop3A_769, %parallel_loop3A_770] {strides = array<i32>} : memref<64x128xf32, #tpu.memory_space<vmem>>, vector<16xf32>,
        tpu.vector_store %arg9[%parallel_loop3A_769, %parallel_loop3A_770], %parallel_loop3A_768 {strides = array<i32>} : memref<64x128xf32, #tpu.memory_space<vmem>>, vector<16xf32>,
        %parallel_loop3A_772 = vector.broadcast %parallel_loop3A_759 : i32 to vector<16xi32>
        %parallel_loop3A_773 = arith.addi %shift_left3A_566, %parallel_loop3A_772 : vector<16xi32>
        %parallel_loop3A_774 = tpu.vector_load_idx %arg7[%broadcast_in_dim3A_548, %parallel_loop3A_773] : memref<128x64xf32, #tpu.memory_space<vmem>>[vector<16xi32>, vector<16xi32>], vector<16xf32>,
        %parallel_loop3A_775 = arith.index_cast %parallel_loop3A_759 : i32 to index
        %parallel_loop3A_776 = arith.constant 32 : index
        %parallel_loop3A_777 = tpu.vector_load %arg9[%parallel_loop3A_775, %parallel_loop3A_776] {strides = array<i32>} : memref<64x128xf32, #tpu.memory_space<vmem>>, vector<16xf32>,
        tpu.vector_store %arg9[%parallel_loop3A_775, %parallel_loop3A_776], %parallel_loop3A_774 {strides = array<i32>} : memref<64x128xf32, #tpu.memory_space<vmem>>, vector<16xf32>,
        %parallel_loop3A_778 = vector.broadcast %parallel_loop3A_759 : i32 to vector<16xi32>
        %parallel_loop3A_779 = arith.addi %shift_left3A_572, %parallel_loop3A_778 : vector<16xi32>
        %parallel_loop3A_780 = tpu.vector_load_idx %arg7[%broadcast_in_dim3A_548, %parallel_loop3A_779] : memref<128x64xf32, #tpu.memory_space<vmem>>[vector<16xi32>, vector<16xi32>], vector<16xf32>,
        %parallel_loop3A_781 = arith.index_cast %parallel_loop3A_759 : i32 to index
        %parallel_loop3A_782 = arith.constant 48 : index
        %parallel_loop3A_783 = tpu.vector_load %arg9[%parallel_loop3A_781, %parallel_loop3A_782] {strides = array<i32>} : memref<64x128xf32, #tpu.memory_space<vmem>>, vector<16xf32>,
        tpu.vector_store %arg9[%parallel_loop3A_781, %parallel_loop3A_782], %parallel_loop3A_780 {strides = array<i32>} : memref<64x128xf32, #tpu.memory_space<vmem>>, vector<16xf32>,
        %parallel_loop3A_784 = vector.broadcast %parallel_loop3A_759 : i32 to vector<16xi32>
        %parallel_loop3A_785 = arith.addi %shift_left3A_578, %parallel_loop3A_784 : vector<16xi32>
        %parallel_loop3A_786 = tpu.vector_load_idx %arg7[%broadcast_in_dim3A_548, %parallel_loop3A_785] : memref<128x64xf32, #tpu.memory_space<vmem>>[vector<16xi32>, vector<16xi32>], vector<16xf32>,
        %parallel_loop3A_787 = arith.index_cast %parallel_loop3A_759 : i32 to index
        %parallel_loop3A_788 = arith.constant 64 : index
        %parallel_loop3A_789 = tpu.vector_load %arg9[%parallel_loop3A_787, %parallel_loop3A_788] {strides = array<i32>} : memref<64x128xf32, #tpu.memory_space<vmem>>, vector<16xf32>,
        tpu.vector_store %arg9[%parallel_loop3A_787, %parallel_loop3A_788], %parallel_loop3A_786 {strides = array<i32>} : memref<64x128xf32, #tpu.memory_space<vmem>>, vector<16xf32>,
        %parallel_loop3A_790 = vector.broadcast %parallel_loop3A_759 : i32 to vector<16xi32>
        %parallel_loop3A_791 = arith.addi %shift_left3A_584, %parallel_loop3A_790 : vector<16xi32>
        %parallel_loop3A_792 = tpu.vector_load_idx %arg7[%broadcast_in_dim3A_548, %parallel_loop3A_791] : memref<128x64xf32, #tpu.memory_space<vmem>>[vector<16xi32>, vector<16xi32>], vector<16xf32>,
        %parallel_loop3A_793 = arith.index_cast %parallel_loop3A_759 : i32 to index
        %parallel_loop3A_794 = arith.constant 80 : index
        %parallel_loop3A_795 = tpu.vector_load %arg9[%parallel_loop3A_793, %parallel_loop3A_794] {strides = array<i32>} : memref<64x128xf32, #tpu.memory_space<vmem>>, vector<16xf32>,
        tpu.vector_store %arg9[%parallel_loop3A_793, %parallel_loop3A_794], %parallel_loop3A_792 {strides = array<i32>} : memref<64x128xf32, #tpu.memory_space<vmem>>, vector<16xf32>,
        %parallel_loop3A_796 = vector.broadcast %parallel_loop3A_759 : i32 to vector<16xi32>
        %parallel_loop3A_797 = arith.addi %shift_left3A_590, %parallel_loop3A_796 : vector<16xi32>
        %parallel_loop3A_798 = tpu.vector_load_idx %arg7[%broadcast_in_dim3A_548, %parallel_loop3A_797] : memref<128x64xf32, #tpu.memory_space<vmem>>[vector<16xi32>, vector<16xi32>], vector<16xf32>,
        %parallel_loop3A_799 = arith.index_cast %parallel_loop3A_759 : i32 to index
        %parallel_loop3A_800 = arith.constant 96 : index
        %parallel_loop3A_801 = tpu.vector_load %arg9[%parallel_loop3A_799, %parallel_loop3A_800] {strides = array<i32>} : memref<64x128xf32, #tpu.memory_space<vmem>>, vector<16xf32>,
        tpu.vector_store %arg9[%parallel_loop3A_799, %parallel_loop3A_800], %parallel_loop3A_798 {strides = array<i32>} : memref<64x128xf32, #tpu.memory_space<vmem>>, vector<16xf32>,
        %parallel_loop3A_802 = vector.broadcast %parallel_loop3A_759 : i32 to vector<16xi32>
        %parallel_loop3A_803 = arith.addi %shift_left3A_596, %parallel_loop3A_802 : vector<16xi32>
        %parallel_loop3A_804 = tpu.vector_load_idx %arg7[%broadcast_in_dim3A_548, %parallel_loop3A_803] : memref<128x64xf32, #tpu.memory_space<vmem>>[vector<16xi32>, vector<16xi32>], vector<16xf32>,
        %parallel_loop3A_805 = arith.index_cast %parallel_loop3A_759 : i32 to index
        %parallel_loop3A_806 = arith.constant 112 : index
        %parallel_loop3A_807 = tpu.vector_load %arg9[%parallel_loop3A_805, %parallel_loop3A_806] {strides = array<i32>} : memref<64x128xf32, #tpu.memory_space<vmem>>, vector<16xf32>,
        tpu.vector_store %arg9[%parallel_loop3A_805, %parallel_loop3A_806], %parallel_loop3A_804 {strides = array<i32>} : memref<64x128xf32, #tpu.memory_space<vmem>>, vector<16xf32>,
      } {sc.loop_unroll_factor = 4 : i64, sc.parallel_access}
      %mul3A_600 = arith.constant 1024 : i32
      %mul3A_601 = arith.muli %sub3A_531, %mul3A_600 : i32
      %add3A_602 = arith.constant 0 : i32
      %add3A_603 = arith.addi %mul3A_601, %add3A_602 : i32
      %add3A_604 = arith.addi %add3A_603, %add3A_534 : i32
      %dma_start3A_605 = arith.constant 0 : i32
      %dma_start3A_606 = arith.constant 0 : i32
      %dma_start3A_607 = tpu.memref_slice %arg9[%dma_start3A_605, %dma_start3A_606] : memref<64x128xf32, #tpu.memory_space<vmem>> -> memref<8x128xf32, #tpu.memory_space<vmem>>
      %dma_start3A_608 = arith.constant 0 : i32
      %dma_start3A_609 = arith.constant 0 : i32
      %dma_start3A_610 = tpu.memref_slice %arg4[%add3A_604, %dma_start3A_608, %dma_start3A_609] : memref<51200x8x128xf32, #tpu.memory_space<hbm>> -> memref<1x8x128xf32, #tpu.memory_space<hbm>>
      %dma_start3A_611 = tpu.memref_squeeze %dma_start3A_610 : memref<1x8x128xf32, #tpu.memory_space<hbm>> -> memref<8x128xf32, #tpu.memory_space<hbm>>
      %dma_start3A_612 = arith.constant 0 : i32
      %dma_start3A_613 = arith.constant 0 : i32
      %dma_start3A_614 = tpu.memref_slice %arg4[%add3A_604, %dma_start3A_612, %dma_start3A_613] : memref<51200x8x128xf32, #tpu.memory_space<hbm>> -> memref<1x8x128xf32, #tpu.memory_space<hbm>>
      %dma_start3A_615 = tpu.memref_squeeze %dma_start3A_614 : memref<1x8x128xf32, #tpu.memory_space<hbm>> -> memref<8x128xf32, #tpu.memory_space<hbm>>
      %dma_start3A_616 = arith.constant 0 : i32
      %dma_start3A_617 = arith.constant 0 : i32
      %dma_start3A_618 = tpu.memref_slice %arg9[%dma_start3A_616, %dma_start3A_617] : memref<64x128xf32, #tpu.memory_space<vmem>> -> memref<8x128xf32, #tpu.memory_space<vmem>>
      tpu.enqueue_dma source(%dma_start3A_618 : memref<8x128xf32, #tpu.memory_space<vmem>>) target(%dma_start3A_615 : memref<8x128xf32, #tpu.memory_space<hbm>>) target_semaphore(%arg13 : memref<!tpu.dma_semaphore, #tpu.memory_space<semaphore_mem>>)
      %mul3A_619 = arith.constant 1024 : i32
      %mul3A_620 = arith.muli %sub3A_531, %mul3A_619 : i32
      %add3A_621 = arith.constant 128 : i32
      %add3A_622 = arith.addi %mul3A_620, %add3A_621 : i32
      %add3A_623 = arith.addi %add3A_622, %add3A_534 : i32
      %dma_start3A_624 = arith.constant 8 : i32
      %dma_start3A_625 = arith.constant 0 : i32
      %dma_start3A_626 = tpu.memref_slice %arg9[%dma_start3A_624, %dma_start3A_625] : memref<64x128xf32, #tpu.memory_space<vmem>> -> memref<8x128xf32, #tpu.memory_space<vmem>>
      %dma_start3A_627 = arith.constant 0 : i32
      %dma_start3A_628 = arith.constant 0 : i32
      %dma_start3A_629 = tpu.memref_slice %arg4[%add3A_623, %dma_start3A_627, %dma_start3A_628] : memref<51200x8x128xf32, #tpu.memory_space<hbm>> -> memref<1x8x128xf32, #tpu.memory_space<hbm>>
      %dma_start3A_630 = tpu.memref_squeeze %dma_start3A_629 : memref<1x8x128xf32, #tpu.memory_space<hbm>> -> memref<8x128xf32, #tpu.memory_space<hbm>>
      %dma_start3A_631 = arith.constant 0 : i32
      %dma_start3A_632 = arith.constant 0 : i32
      %dma_start3A_633 = tpu.memref_slice %arg4[%add3A_623, %dma_start3A_631, %dma_start3A_632] : memref<51200x8x128xf32, #tpu.memory_space<hbm>> -> memref<1x8x128xf32, #tpu.memory_space<hbm>>
      %dma_start3A_634 = tpu.memref_squeeze %dma_start3A_633 : memref<1x8x128xf32, #tpu.memory_space<hbm>> -> memref<8x128xf32, #tpu.memory_space<hbm>>
      %dma_start3A_635 = arith.constant 8 : i32
      %dma_start3A_636 = arith.constant 0 : i32
      %dma_start3A_637 = tpu.memref_slice %arg9[%dma_start3A_635, %dma_start3A_636] : memref<64x128xf32, #tpu.memory_space<vmem>> -> memref<8x128xf32, #tpu.memory_space<vmem>>
      tpu.enqueue_dma source(%dma_start3A_637 : memref<8x128xf32, #tpu.memory_space<vmem>>) target(%dma_start3A_634 : memref<8x128xf32, #tpu.memory_space<hbm>>) target_semaphore(%arg13 : memref<!tpu.dma_semaphore, #tpu.memory_space<semaphore_mem>>)
      %mul3A_638 = arith.constant 1024 : i32
      %mul3A_639 = arith.muli %sub3A_531, %mul3A_638 : i32
      %add3A_640 = arith.constant 256 : i32
      %add3A_641 = arith.addi %mul3A_639, %add3A_640 : i32
      %add3A_642 = arith.addi %add3A_641, %add3A_534 : i32
      %dma_start3A_643 = arith.constant 16 : i32
      %dma_start3A_644 = arith.constant 0 : i32
      %dma_start3A_645 = tpu.memref_slice %arg9[%dma_start3A_643, %dma_start3A_644] : memref<64x128xf32, #tpu.memory_space<vmem>> -> memref<8x128xf32, #tpu.memory_space<vmem>>
      %dma_start3A_646 = arith.constant 0 : i32
      %dma_start3A_647 = arith.constant 0 : i32
      %dma_start3A_648 = tpu.memref_slice %arg4[%add3A_642, %dma_start3A_646, %dma_start3A_647] : memref<51200x8x128xf32, #tpu.memory_space<hbm>> -> memref<1x8x128xf32, #tpu.memory_space<hbm>>
      %dma_start3A_649 = tpu.memref_squeeze %dma_start3A_648 : memref<1x8x128xf32, #tpu.memory_space<hbm>> -> memref<8x128xf32, #tpu.memory_space<hbm>>
      %dma_start3A_650 = arith.constant 0 : i32
      %dma_start3A_651 = arith.constant 0 : i32
      %dma_start3A_652 = tpu.memref_slice %arg4[%add3A_642, %dma_start3A_650, %dma_start3A_651] : memref<51200x8x128xf32, #tpu.memory_space<hbm>> -> memref<1x8x128xf32, #tpu.memory_space<hbm>>
      %dma_start3A_653 = tpu.memref_squeeze %dma_start3A_652 : memref<1x8x128xf32, #tpu.memory_space<hbm>> -> memref<8x128xf32, #tpu.memory_space<hbm>>
      %dma_start3A_654 = arith.constant 16 : i32
      %dma_start3A_655 = arith.constant 0 : i32
      %dma_start3A_656 = tpu.memref_slice %arg9[%dma_start3A_654, %dma_start3A_655] : memref<64x128xf32, #tpu.memory_space<vmem>> -> memref<8x128xf32, #tpu.memory_space<vmem>>
      tpu.enqueue_dma source(%dma_start3A_656 : memref<8x128xf32, #tpu.memory_space<vmem>>) target(%dma_start3A_653 : memref<8x128xf32, #tpu.memory_space<hbm>>) target_semaphore(%arg13 : memref<!tpu.dma_semaphore, #tpu.memory_space<semaphore_mem>>)
      %mul3A_657 = arith.constant 1024 : i32
      %mul3A_658 = arith.muli %sub3A_531, %mul3A_657 : i32
      %add3A_659 = arith.constant 384 : i32
      %add3A_660 = arith.addi %mul3A_658, %add3A_659 : i32
      %add3A_661 = arith.addi %add3A_660, %add3A_534 : i32
      %dma_start3A_662 = arith.constant 24 : i32
      %dma_start3A_663 = arith.constant 0 : i32
      %dma_start3A_664 = tpu.memref_slice %arg9[%dma_start3A_662, %dma_start3A_663] : memref<64x128xf32, #tpu.memory_space<vmem>> -> memref<8x128xf32, #tpu.memory_space<vmem>>
      %dma_start3A_665 = arith.constant 0 : i32
      %dma_start3A_666 = arith.constant 0 : i32
      %dma_start3A_667 = tpu.memref_slice %arg4[%add3A_661, %dma_start3A_665, %dma_start3A_666] : memref<51200x8x128xf32, #tpu.memory_space<hbm>> -> memref<1x8x128xf32, #tpu.memory_space<hbm>>
      %dma_start3A_668 = tpu.memref_squeeze %dma_start3A_667 : memref<1x8x128xf32, #tpu.memory_space<hbm>> -> memref<8x128xf32, #tpu.memory_space<hbm>>
      %dma_start3A_669 = arith.constant 0 : i32
      %dma_start3A_670 = arith.constant 0 : i32
      %dma_start3A_671 = tpu.memref_slice %arg4[%add3A_661, %dma_start3A_669, %dma_start3A_670] : memref<51200x8x128xf32, #tpu.memory_space<hbm>> -> memref<1x8x128xf32, #tpu.memory_space<hbm>>
      %dma_start3A_672 = tpu.memref_squeeze %dma_start3A_671 : memref<1x8x128xf32, #tpu.memory_space<hbm>> -> memref<8x128xf32, #tpu.memory_space<hbm>>
      %dma_start3A_673 = arith.constant 24 : i32
      %dma_start3A_674 = arith.constant 0 : i32
      %dma_start3A_675 = tpu.memref_slice %arg9[%dma_start3A_673, %dma_start3A_674] : memref<64x128xf32, #tpu.memory_space<vmem>> -> memref<8x128xf32, #tpu.memory_space<vmem>>
      tpu.enqueue_dma source(%dma_start3A_675 : memref<8x128xf32, #tpu.memory_space<vmem>>) target(%dma_start3A_672 : memref<8x128xf32, #tpu.memory_space<hbm>>) target_semaphore(%arg13 : memref<!tpu.dma_semaphore, #tpu.memory_space<semaphore_mem>>)
      %mul3A_676 = arith.constant 1024 : i32
      %mul3A_677 = arith.muli %sub3A_531, %mul3A_676 : i32
      %add3A_678 = arith.constant 512 : i32
      %add3A_679 = arith.addi %mul3A_677, %add3A_678 : i32
      %add3A_680 = arith.addi %add3A_679, %add3A_534 : i32
      %dma_start3A_681 = arith.constant 32 : i32
      %dma_start3A_682 = arith.constant 0 : i32
      %dma_start3A_683 = tpu.memref_slice %arg9[%dma_start3A_681, %dma_start3A_682] : memref<64x128xf32, #tpu.memory_space<vmem>> -> memref<8x128xf32, #tpu.memory_space<vmem>>
      %dma_start3A_684 = arith.constant 0 : i32
      %dma_start3A_685 = arith.constant 0 : i32
      %dma_start3A_686 = tpu.memref_slice %arg4[%add3A_680, %dma_start3A_684, %dma_start3A_685] : memref<51200x8x128xf32, #tpu.memory_space<hbm>> -> memref<1x8x128xf32, #tpu.memory_space<hbm>>
      %dma_start3A_687 = tpu.memref_squeeze %dma_start3A_686 : memref<1x8x128xf32, #tpu.memory_space<hbm>> -> memref<8x128xf32, #tpu.memory_space<hbm>>
      %dma_start3A_688 = arith.constant 0 : i32
      %dma_start3A_689 = arith.constant 0 : i32
      %dma_start3A_690 = tpu.memref_slice %arg4[%add3A_680, %dma_start3A_688, %dma_start3A_689] : memref<51200x8x128xf32, #tpu.memory_space<hbm>> -> memref<1x8x128xf32, #tpu.memory_space<hbm>>
      %dma_start3A_691 = tpu.memref_squeeze %dma_start3A_690 : memref<1x8x128xf32, #tpu.memory_space<hbm>> -> memref<8x128xf32, #tpu.memory_space<hbm>>
      %dma_start3A_692 = arith.constant 32 : i32
      %dma_start3A_693 = arith.constant 0 : i32
      %dma_start3A_694 = tpu.memref_slice %arg9[%dma_start3A_692, %dma_start3A_693] : memref<64x128xf32, #tpu.memory_space<vmem>> -> memref<8x128xf32, #tpu.memory_space<vmem>>
      tpu.enqueue_dma source(%dma_start3A_694 : memref<8x128xf32, #tpu.memory_space<vmem>>) target(%dma_start3A_691 : memref<8x128xf32, #tpu.memory_space<hbm>>) target_semaphore(%arg13 : memref<!tpu.dma_semaphore, #tpu.memory_space<semaphore_mem>>)
      %mul3A_695 = arith.constant 1024 : i32
      %mul3A_696 = arith.muli %sub3A_531, %mul3A_695 : i32
      %add3A_697 = arith.constant 640 : i32
      %add3A_698 = arith.addi %mul3A_696, %add3A_697 : i32
      %add3A_699 = arith.addi %add3A_698, %add3A_534 : i32
      %dma_start3A_700 = arith.constant 40 : i32
      %dma_start3A_701 = arith.constant 0 : i32
      %dma_start3A_702 = tpu.memref_slice %arg9[%dma_start3A_700, %dma_start3A_701] : memref<64x128xf32, #tpu.memory_space<vmem>> -> memref<8x128xf32, #tpu.memory_space<vmem>>
      %dma_start3A_703 = arith.constant 0 : i32
      %dma_start3A_704 = arith.constant 0 : i32
      %dma_start3A_705 = tpu.memref_slice %arg4[%add3A_699, %dma_start3A_703, %dma_start3A_704] : memref<51200x8x128xf32, #tpu.memory_space<hbm>> -> memref<1x8x128xf32, #tpu.memory_space<hbm>>
      %dma_start3A_706 = tpu.memref_squeeze %dma_start3A_705 : memref<1x8x128xf32, #tpu.memory_space<hbm>> -> memref<8x128xf32, #tpu.memory_space<hbm>>
      %dma_start3A_707 = arith.constant 0 : i32
      %dma_start3A_708 = arith.constant 0 : i32
      %dma_start3A_709 = tpu.memref_slice %arg4[%add3A_699, %dma_start3A_707, %dma_start3A_708] : memref<51200x8x128xf32, #tpu.memory_space<hbm>> -> memref<1x8x128xf32, #tpu.memory_space<hbm>>
      %dma_start3A_710 = tpu.memref_squeeze %dma_start3A_709 : memref<1x8x128xf32, #tpu.memory_space<hbm>> -> memref<8x128xf32, #tpu.memory_space<hbm>>
      %dma_start3A_711 = arith.constant 40 : i32
      %dma_start3A_712 = arith.constant 0 : i32
      %dma_start3A_713 = tpu.memref_slice %arg9[%dma_start3A_711, %dma_start3A_712] : memref<64x128xf32, #tpu.memory_space<vmem>> -> memref<8x128xf32, #tpu.memory_space<vmem>>
      tpu.enqueue_dma source(%dma_start3A_713 : memref<8x128xf32, #tpu.memory_space<vmem>>) target(%dma_start3A_710 : memref<8x128xf32, #tpu.memory_space<hbm>>) target_semaphore(%arg13 : memref<!tpu.dma_semaphore, #tpu.memory_space<semaphore_mem>>)
      %mul3A_714 = arith.constant 1024 : i32
      %mul3A_715 = arith.muli %sub3A_531, %mul3A_714 : i32
      %add3A_716 = arith.constant 768 : i32
      %add3A_717 = arith.addi %mul3A_715, %add3A_716 : i32
      %add3A_718 = arith.addi %add3A_717, %add3A_534 : i32
      %dma_start3A_719 = arith.constant 48 : i32
      %dma_start3A_720 = arith.constant 0 : i32
      %dma_start3A_721 = tpu.memref_slice %arg9[%dma_start3A_719, %dma_start3A_720] : memref<64x128xf32, #tpu.memory_space<vmem>> -> memref<8x128xf32, #tpu.memory_space<vmem>>
      %dma_start3A_722 = arith.constant 0 : i32
      %dma_start3A_723 = arith.constant 0 : i32
      %dma_start3A_724 = tpu.memref_slice %arg4[%add3A_718, %dma_start3A_722, %dma_start3A_723] : memref<51200x8x128xf32, #tpu.memory_space<hbm>> -> memref<1x8x128xf32, #tpu.memory_space<hbm>>
      %dma_start3A_725 = tpu.memref_squeeze %dma_start3A_724 : memref<1x8x128xf32, #tpu.memory_space<hbm>> -> memref<8x128xf32, #tpu.memory_space<hbm>>
      %dma_start3A_726 = arith.constant 0 : i32
      %dma_start3A_727 = arith.constant 0 : i32
      %dma_start3A_728 = tpu.memref_slice %arg4[%add3A_718, %dma_start3A_726, %dma_start3A_727] : memref<51200x8x128xf32, #tpu.memory_space<hbm>> -> memref<1x8x128xf32, #tpu.memory_space<hbm>>
      %dma_start3A_729 = tpu.memref_squeeze %dma_start3A_728 : memref<1x8x128xf32, #tpu.memory_space<hbm>> -> memref<8x128xf32, #tpu.memory_space<hbm>>
      %dma_start3A_730 = arith.constant 48 : i32
      %dma_start3A_731 = arith.constant 0 : i32
      %dma_start3A_732 = tpu.memref_slice %arg9[%dma_start3A_730, %dma_start3A_731] : memref<64x128xf32, #tpu.memory_space<vmem>> -> memref<8x128xf32, #tpu.memory_space<vmem>>
      tpu.enqueue_dma source(%dma_start3A_732 : memref<8x128xf32, #tpu.memory_space<vmem>>) target(%dma_start3A_729 : memref<8x128xf32, #tpu.memory_space<hbm>>) target_semaphore(%arg13 : memref<!tpu.dma_semaphore, #tpu.memory_space<semaphore_mem>>)
      %mul3A_733 = arith.constant 1024 : i32
      %mul3A_734 = arith.muli %sub3A_531, %mul3A_733 : i32
      %add3A_735 = arith.constant 896 : i32
      %add3A_736 = arith.addi %mul3A_734, %add3A_735 : i32
      %add3A_737 = arith.addi %add3A_736, %add3A_534 : i32
      %dma_start3A_738 = arith.constant 56 : i32
      %dma_start3A_739 = arith.constant 0 : i32
      %dma_start3A_740 = tpu.memref_slice %arg9[%dma_start3A_738, %dma_start3A_739] : memref<64x128xf32, #tpu.memory_space<vmem>> -> memref<8x128xf32, #tpu.memory_space<vmem>>
      %dma_start3A_741 = arith.constant 0 : i32
      %dma_start3A_742 = arith.constant 0 : i32
      %dma_start3A_743 = tpu.memref_slice %arg4[%add3A_737, %dma_start3A_741, %dma_start3A_742] : memref<51200x8x128xf32, #tpu.memory_space<hbm>> -> memref<1x8x128xf32, #tpu.memory_space<hbm>>
      %dma_start3A_744 = tpu.memref_squeeze %dma_start3A_743 : memref<1x8x128xf32, #tpu.memory_space<hbm>> -> memref<8x128xf32, #tpu.memory_space<hbm>>
      %dma_start3A_745 = arith.constant 0 : i32
      %dma_start3A_746 = arith.constant 0 : i32
      %dma_start3A_747 = tpu.memref_slice %arg4[%add3A_737, %dma_start3A_745, %dma_start3A_746] : memref<51200x8x128xf32, #tpu.memory_space<hbm>> -> memref<1x8x128xf32, #tpu.memory_space<hbm>>
      %dma_start3A_748 = tpu.memref_squeeze %dma_start3A_747 : memref<1x8x128xf32, #tpu.memory_space<hbm>> -> memref<8x128xf32, #tpu.memory_space<hbm>>
      %dma_start3A_749 = arith.constant 56 : i32
      %dma_start3A_750 = arith.constant 0 : i32
      %dma_start3A_751 = tpu.memref_slice %arg9[%dma_start3A_749, %dma_start3A_750] : memref<64x128xf32, #tpu.memory_space<vmem>> -> memref<8x128xf32, #tpu.memory_space<vmem>>
      tpu.enqueue_dma source(%dma_start3A_751 : memref<8x128xf32, #tpu.memory_space<vmem>>) target(%dma_start3A_748 : memref<8x128xf32, #tpu.memory_space<hbm>>) target_semaphore(%arg13 : memref<!tpu.dma_semaphore, #tpu.memory_space<semaphore_mem>>)
      %add3A_752 = arith.constant 2 : i32
      %add3A_753 = arith.addi %add3A_504, %add3A_752 : i32
      %lt3A_754 = arith.constant 200 : i32
      %lt3A_755 = arith.cmpi slt, %add3A_753, %lt3A_754 : i32
      %convert_element_type3A_756 = arith.extui %lt3A_755 : i1 to i32
      %cond3A_757 = arith.constant 0 : i32
      %cond3A_758 = arith.cmpi ne, %convert_element_type3A_756, %cond3A_757 : i32
      scf.if %cond3A_758 {
        %add3A_759 = arith.constant 2 : i32
        %add3A_760 = arith.addi %add3A_504, %add3A_759 : i32
        %dma_start3A_761 = arith.constant 0 : i32
        %dma_start3A_762 = tpu.memref_slice %arg5[%add3A_760, %dma_start3A_761] : memref<200x128xi32, #tpu.memory_space<vmem>> -> memref<1x128xi32, #tpu.memory_space<vmem>>
        %dma_start3A_763 = tpu.memref_squeeze %dma_start3A_762 : memref<1x128xi32, #tpu.memory_space<vmem>> -> memref<128xi32, #tpu.memory_space<vmem>>
        %dma_start3A_764 = arith.constant 0 : i32
        %dma_start3A_765 = arith.constant 0 : i32
        %dma_start3A_766 = tpu.memref_slice %arg3[%dma_start3A_764, %dma_start3A_765] : memref<1000000x64xf32, #tpu.memory_space<hbm>> -> memref<1000000x64xf32, #tpu.memory_space<hbm>>
        tpu.enqueue_indirect_dma source(%dma_start3A_766 : memref<1000000x64xf32, #tpu.memory_space<hbm>>) target(%arg7 : memref<128x64xf32, #tpu.memory_space<vmem>>) offsets(%dma_start3A_763 : memref<128xi32, #tpu.memory_space<vmem>>) semaphore(%arg11 : memref<!tpu.dma_semaphore, #tpu.memory_space<semaphore_mem>>)
      } else {
      }
    }
    %scan3A_18 = arith.constant 100 : i32
    %dma_wait3A = arith.constant 0 : i32
    %dma_wait3A_19 = arith.constant 0 : i32
    %dma_wait3A_20 = arith.constant 0 : i32
    %dma_wait3A_21 = tpu.memref_slice %arg8[%dma_wait3A_19, %dma_wait3A_20] : memref<64x128xf32, #tpu.memory_space<vmem>> -> memref<8x128xf32, #tpu.memory_space<vmem>>
    %dma_wait3A_22 = arith.constant 0 : i32
    %dma_wait3A_23 = arith.constant 0 : i32
    %dma_wait3A_24 = tpu.memref_slice %arg4[%dma_wait3A, %dma_wait3A_22, %dma_wait3A_23] : memref<51200x8x128xf32, #tpu.memory_space<hbm>> -> memref<1x8x128xf32, #tpu.memory_space<hbm>>
    %dma_wait3A_25 = tpu.memref_squeeze %dma_wait3A_24 : memref<1x8x128xf32, #tpu.memory_space<hbm>> -> memref<8x128xf32, #tpu.memory_space<hbm>>
    %dma_wait3A_26 = arith.constant 0 : i32
    %dma_wait3A_27 = arith.constant 0 : i32
    %dma_wait3A_28 = tpu.memref_slice %arg4[%dma_wait3A, %dma_wait3A_26, %dma_wait3A_27] : memref<51200x8x128xf32, #tpu.memory_space<hbm>> -> memref<1x8x128xf32, #tpu.memory_space<hbm>>
    %dma_wait3A_29 = tpu.memref_squeeze %dma_wait3A_28 : memref<1x8x128xf32, #tpu.memory_space<hbm>> -> memref<8x128xf32, #tpu.memory_space<hbm>>
    %dma_wait3A_30 = arith.constant 0 : i32
    %dma_wait3A_31 = arith.constant 0 : i32
    %dma_wait3A_32 = tpu.memref_slice %arg8[%dma_wait3A_30, %dma_wait3A_31] : memref<64x128xf32, #tpu.memory_space<vmem>> -> memref<8x128xf32, #tpu.memory_space<vmem>>
    tpu.wait_dma2 semaphore(%arg12 : memref<!tpu.dma_semaphore, #tpu.memory_space<semaphore_mem>>) src(%dma_wait3A_32 : memref<8x128xf32, #tpu.memory_space<vmem>>) dst(%dma_wait3A_29 : memref<8x128xf32, #tpu.memory_space<hbm>>)
    %dma_wait3A_33 = arith.constant 0 : i32
    %dma_wait3A_34 = arith.constant 8 : i32
    %dma_wait3A_35 = arith.constant 0 : i32
    %dma_wait3A_36 = tpu.memref_slice %arg8[%dma_wait3A_34, %dma_wait3A_35] : memref<64x128xf32, #tpu.memory_space<vmem>> -> memref<8x128xf32, #tpu.memory_space<vmem>>
    %dma_wait3A_37 = arith.constant 0 : i32
    %dma_wait3A_38 = arith.constant 0 : i32
    %dma_wait3A_39 = tpu.memref_slice %arg4[%dma_wait3A_33, %dma_wait3A_37, %dma_wait3A_38] : memref<51200x8x128xf32, #tpu.memory_space<hbm>> -> memref<1x8x128xf32, #tpu.memory_space<hbm>>
    %dma_wait3A_40 = tpu.memref_squeeze %dma_wait3A_39 : memref<1x8x128xf32, #tpu.memory_space<hbm>> -> memref<8x128xf32, #tpu.memory_space<hbm>>
    %dma_wait3A_41 = arith.constant 0 : i32
    %dma_wait3A_42 = arith.constant 0 : i32
    %dma_wait3A_43 = tpu.memref_slice %arg4[%dma_wait3A_33, %dma_wait3A_41, %dma_wait3A_42] : memref<51200x8x128xf32, #tpu.memory_space<hbm>> -> memref<1x8x128xf32, #tpu.memory_space<hbm>>
    %dma_wait3A_44 = tpu.memref_squeeze %dma_wait3A_43 : memref<1x8x128xf32, #tpu.memory_space<hbm>> -> memref<8x128xf32, #tpu.memory_space<hbm>>
    %dma_wait3A_45 = arith.constant 8 : i32
    %dma_wait3A_46 = arith.constant 0 : i32
    %dma_wait3A_47 = tpu.memref_slice %arg8[%dma_wait3A_45, %dma_wait3A_46] : memref<64x128xf32, #tpu.memory_space<vmem>> -> memref<8x128xf32, #tpu.memory_space<vmem>>
    tpu.wait_dma2 semaphore(%arg12 : memref<!tpu.dma_semaphore, #tpu.memory_space<semaphore_mem>>) src(%dma_wait3A_47 : memref<8x128xf32, #tpu.memory_space<vmem>>) dst(%dma_wait3A_44 : memref<8x128xf32, #tpu.memory_space<hbm>>)
    %dma_wait3A_48 = arith.constant 0 : i32
    %dma_wait3A_49 = arith.constant 16 : i32
    %dma_wait3A_50 = arith.constant 0 : i32
    %dma_wait3A_51 = tpu.memref_slice %arg8[%dma_wait3A_49, %dma_wait3A_50] : memref<64x128xf32, #tpu.memory_space<vmem>> -> memref<8x128xf32, #tpu.memory_space<vmem>>
    %dma_wait3A_52 = arith.constant 0 : i32
    %dma_wait3A_53 = arith.constant 0 : i32
    %dma_wait3A_54 = tpu.memref_slice %arg4[%dma_wait3A_48, %dma_wait3A_52, %dma_wait3A_53] : memref<51200x8x128xf32, #tpu.memory_space<hbm>> -> memref<1x8x128xf32, #tpu.memory_space<hbm>>
    %dma_wait3A_55 = tpu.memref_squeeze %dma_wait3A_54 : memref<1x8x128xf32, #tpu.memory_space<hbm>> -> memref<8x128xf32, #tpu.memory_space<hbm>>
    %dma_wait3A_56 = arith.constant 0 : i32
    %dma_wait3A_57 = arith.constant 0 : i32
    %dma_wait3A_58 = tpu.memref_slice %arg4[%dma_wait3A_48, %dma_wait3A_56, %dma_wait3A_57] : memref<51200x8x128xf32, #tpu.memory_space<hbm>> -> memref<1x8x128xf32, #tpu.memory_space<hbm>>
    %dma_wait3A_59 = tpu.memref_squeeze %dma_wait3A_58 : memref<1x8x128xf32, #tpu.memory_space<hbm>> -> memref<8x128xf32, #tpu.memory_space<hbm>>
    %dma_wait3A_60 = arith.constant 16 : i32
    %dma_wait3A_61 = arith.constant 0 : i32
    %dma_wait3A_62 = tpu.memref_slice %arg8[%dma_wait3A_60, %dma_wait3A_61] : memref<64x128xf32, #tpu.memory_space<vmem>> -> memref<8x128xf32, #tpu.memory_space<vmem>>
    tpu.wait_dma2 semaphore(%arg12 : memref<!tpu.dma_semaphore, #tpu.memory_space<semaphore_mem>>) src(%dma_wait3A_62 : memref<8x128xf32, #tpu.memory_space<vmem>>) dst(%dma_wait3A_59 : memref<8x128xf32, #tpu.memory_space<hbm>>)
    %dma_wait3A_63 = arith.constant 0 : i32
    %dma_wait3A_64 = arith.constant 24 : i32
    %dma_wait3A_65 = arith.constant 0 : i32
    %dma_wait3A_66 = tpu.memref_slice %arg8[%dma_wait3A_64, %dma_wait3A_65] : memref<64x128xf32, #tpu.memory_space<vmem>> -> memref<8x128xf32, #tpu.memory_space<vmem>>
    %dma_wait3A_67 = arith.constant 0 : i32
    %dma_wait3A_68 = arith.constant 0 : i32
    %dma_wait3A_69 = tpu.memref_slice %arg4[%dma_wait3A_63, %dma_wait3A_67, %dma_wait3A_68] : memref<51200x8x128xf32, #tpu.memory_space<hbm>> -> memref<1x8x128xf32, #tpu.memory_space<hbm>>
    %dma_wait3A_70 = tpu.memref_squeeze %dma_wait3A_69 : memref<1x8x128xf32, #tpu.memory_space<hbm>> -> memref<8x128xf32, #tpu.memory_space<hbm>>
    %dma_wait3A_71 = arith.constant 0 : i32
    %dma_wait3A_72 = arith.constant 0 : i32
    %dma_wait3A_73 = tpu.memref_slice %arg4[%dma_wait3A_63, %dma_wait3A_71, %dma_wait3A_72] : memref<51200x8x128xf32, #tpu.memory_space<hbm>> -> memref<1x8x128xf32, #tpu.memory_space<hbm>>
    %dma_wait3A_74 = tpu.memref_squeeze %dma_wait3A_73 : memref<1x8x128xf32, #tpu.memory_space<hbm>> -> memref<8x128xf32, #tpu.memory_space<hbm>>
    %dma_wait3A_75 = arith.constant 24 : i32
    %dma_wait3A_76 = arith.constant 0 : i32
    %dma_wait3A_77 = tpu.memref_slice %arg8[%dma_wait3A_75, %dma_wait3A_76] : memref<64x128xf32, #tpu.memory_space<vmem>> -> memref<8x128xf32, #tpu.memory_space<vmem>>
    tpu.wait_dma2 semaphore(%arg12 : memref<!tpu.dma_semaphore, #tpu.memory_space<semaphore_mem>>) src(%dma_wait3A_77 : memref<8x128xf32, #tpu.memory_space<vmem>>) dst(%dma_wait3A_74 : memref<8x128xf32, #tpu.memory_space<hbm>>)
    %dma_wait3A_78 = arith.constant 0 : i32
    %dma_wait3A_79 = arith.constant 32 : i32
    %dma_wait3A_80 = arith.constant 0 : i32
    %dma_wait3A_81 = tpu.memref_slice %arg8[%dma_wait3A_79, %dma_wait3A_80] : memref<64x128xf32, #tpu.memory_space<vmem>> -> memref<8x128xf32, #tpu.memory_space<vmem>>
    %dma_wait3A_82 = arith.constant 0 : i32
    %dma_wait3A_83 = arith.constant 0 : i32
    %dma_wait3A_84 = tpu.memref_slice %arg4[%dma_wait3A_78, %dma_wait3A_82, %dma_wait3A_83] : memref<51200x8x128xf32, #tpu.memory_space<hbm>> -> memref<1x8x128xf32, #tpu.memory_space<hbm>>
    %dma_wait3A_85 = tpu.memref_squeeze %dma_wait3A_84 : memref<1x8x128xf32, #tpu.memory_space<hbm>> -> memref<8x128xf32, #tpu.memory_space<hbm>>
    %dma_wait3A_86 = arith.constant 0 : i32
    %dma_wait3A_87 = arith.constant 0 : i32
    %dma_wait3A_88 = tpu.memref_slice %arg4[%dma_wait3A_78, %dma_wait3A_86, %dma_wait3A_87] : memref<51200x8x128xf32, #tpu.memory_space<hbm>> -> memref<1x8x128xf32, #tpu.memory_space<hbm>>
    %dma_wait3A_89 = tpu.memref_squeeze %dma_wait3A_88 : memref<1x8x128xf32, #tpu.memory_space<hbm>> -> memref<8x128xf32, #tpu.memory_space<hbm>>
    %dma_wait3A_90 = arith.constant 32 : i32
    %dma_wait3A_91 = arith.constant 0 : i32
    %dma_wait3A_92 = tpu.memref_slice %arg8[%dma_wait3A_90, %dma_wait3A_91] : memref<64x128xf32, #tpu.memory_space<vmem>> -> memref<8x128xf32, #tpu.memory_space<vmem>>
    tpu.wait_dma2 semaphore(%arg12 : memref<!tpu.dma_semaphore, #tpu.memory_space<semaphore_mem>>) src(%dma_wait3A_92 : memref<8x128xf32, #tpu.memory_space<vmem>>) dst(%dma_wait3A_89 : memref<8x128xf32, #tpu.memory_space<hbm>>)
    %dma_wait3A_93 = arith.constant 0 : i32
    %dma_wait3A_94 = arith.constant 40 : i32
    %dma_wait3A_95 = arith.constant 0 : i32
    %dma_wait3A_96 = tpu.memref_slice %arg8[%dma_wait3A_94, %dma_wait3A_95] : memref<64x128xf32, #tpu.memory_space<vmem>> -> memref<8x128xf32, #tpu.memory_space<vmem>>
    %dma_wait3A_97 = arith.constant 0 : i32
    %dma_wait3A_98 = arith.constant 0 : i32
    %dma_wait3A_99 = tpu.memref_slice %arg4[%dma_wait3A_93, %dma_wait3A_97, %dma_wait3A_98] : memref<51200x8x128xf32, #tpu.memory_space<hbm>> -> memref<1x8x128xf32, #tpu.memory_space<hbm>>
    %dma_wait3A_100 = tpu.memref_squeeze %dma_wait3A_99 : memref<1x8x128xf32, #tpu.memory_space<hbm>> -> memref<8x128xf32, #tpu.memory_space<hbm>>
    %dma_wait3A_101 = arith.constant 0 : i32
    %dma_wait3A_102 = arith.constant 0 : i32
    %dma_wait3A_103 = tpu.memref_slice %arg4[%dma_wait3A_93, %dma_wait3A_101, %dma_wait3A_102] : memref<51200x8x128xf32, #tpu.memory_space<hbm>> -> memref<1x8x128xf32, #tpu.memory_space<hbm>>
    %dma_wait3A_104 = tpu.memref_squeeze %dma_wait3A_103 : memref<1x8x128xf32, #tpu.memory_space<hbm>> -> memref<8x128xf32, #tpu.memory_space<hbm>>
    %dma_wait3A_105 = arith.constant 40 : i32
    %dma_wait3A_106 = arith.constant 0 : i32
    %dma_wait3A_107 = tpu.memref_slice %arg8[%dma_wait3A_105, %dma_wait3A_106] : memref<64x128xf32, #tpu.memory_space<vmem>> -> memref<8x128xf32, #tpu.memory_space<vmem>>
    tpu.wait_dma2 semaphore(%arg12 : memref<!tpu.dma_semaphore, #tpu.memory_space<semaphore_mem>>) src(%dma_wait3A_107 : memref<8x128xf32, #tpu.memory_space<vmem>>) dst(%dma_wait3A_104 : memref<8x128xf32, #tpu.memory_space<hbm>>)
    %dma_wait3A_108 = arith.constant 0 : i32
    %dma_wait3A_109 = arith.constant 48 : i32
    %dma_wait3A_110 = arith.constant 0 : i32
    %dma_wait3A_111 = tpu.memref_slice %arg8[%dma_wait3A_109, %dma_wait3A_110] : memref<64x128xf32, #tpu.memory_space<vmem>> -> memref<8x128xf32, #tpu.memory_space<vmem>>
    %dma_wait3A_112 = arith.constant 0 : i32
    %dma_wait3A_113 = arith.constant 0 : i32
    %dma_wait3A_114 = tpu.memref_slice %arg4[%dma_wait3A_108, %dma_wait3A_112, %dma_wait3A_113] : memref<51200x8x128xf32, #tpu.memory_space<hbm>> -> memref<1x8x128xf32, #tpu.memory_space<hbm>>
    %dma_wait3A_115 = tpu.memref_squeeze %dma_wait3A_114 : memref<1x8x128xf32, #tpu.memory_space<hbm>> -> memref<8x128xf32, #tpu.memory_space<hbm>>
    %dma_wait3A_116 = arith.constant 0 : i32
    %dma_wait3A_117 = arith.constant 0 : i32
    %dma_wait3A_118 = tpu.memref_slice %arg4[%dma_wait3A_108, %dma_wait3A_116, %dma_wait3A_117] : memref<51200x8x128xf32, #tpu.memory_space<hbm>> -> memref<1x8x128xf32, #tpu.memory_space<hbm>>
    %dma_wait3A_119 = tpu.memref_squeeze %dma_wait3A_118 : memref<1x8x128xf32, #tpu.memory_space<hbm>> -> memref<8x128xf32, #tpu.memory_space<hbm>>
    %dma_wait3A_120 = arith.constant 48 : i32
    %dma_wait3A_121 = arith.constant 0 : i32
    %dma_wait3A_122 = tpu.memref_slice %arg8[%dma_wait3A_120, %dma_wait3A_121] : memref<64x128xf32, #tpu.memory_space<vmem>> -> memref<8x128xf32, #tpu.memory_space<vmem>>
    tpu.wait_dma2 semaphore(%arg12 : memref<!tpu.dma_semaphore, #tpu.memory_space<semaphore_mem>>) src(%dma_wait3A_122 : memref<8x128xf32, #tpu.memory_space<vmem>>) dst(%dma_wait3A_119 : memref<8x128xf32, #tpu.memory_space<hbm>>)
    %dma_wait3A_123 = arith.constant 0 : i32
    %dma_wait3A_124 = arith.constant 56 : i32
    %dma_wait3A_125 = arith.constant 0 : i32
    %dma_wait3A_126 = tpu.memref_slice %arg8[%dma_wait3A_124, %dma_wait3A_125] : memref<64x128xf32, #tpu.memory_space<vmem>> -> memref<8x128xf32, #tpu.memory_space<vmem>>
    %dma_wait3A_127 = arith.constant 0 : i32
    %dma_wait3A_128 = arith.constant 0 : i32
    %dma_wait3A_129 = tpu.memref_slice %arg4[%dma_wait3A_123, %dma_wait3A_127, %dma_wait3A_128] : memref<51200x8x128xf32, #tpu.memory_space<hbm>> -> memref<1x8x128xf32, #tpu.memory_space<hbm>>
    %dma_wait3A_130 = tpu.memref_squeeze %dma_wait3A_129 : memref<1x8x128xf32, #tpu.memory_space<hbm>> -> memref<8x128xf32, #tpu.memory_space<hbm>>
    %dma_wait3A_131 = arith.constant 0 : i32
    %dma_wait3A_132 = arith.constant 0 : i32
    %dma_wait3A_133 = tpu.memref_slice %arg4[%dma_wait3A_123, %dma_wait3A_131, %dma_wait3A_132] : memref<51200x8x128xf32, #tpu.memory_space<hbm>> -> memref<1x8x128xf32, #tpu.memory_space<hbm>>
    %dma_wait3A_134 = tpu.memref_squeeze %dma_wait3A_133 : memref<1x8x128xf32, #tpu.memory_space<hbm>> -> memref<8x128xf32, #tpu.memory_space<hbm>>
    %dma_wait3A_135 = arith.constant 56 : i32
    %dma_wait3A_136 = arith.constant 0 : i32
    %dma_wait3A_137 = tpu.memref_slice %arg8[%dma_wait3A_135, %dma_wait3A_136] : memref<64x128xf32, #tpu.memory_space<vmem>> -> memref<8x128xf32, #tpu.memory_space<vmem>>
    tpu.wait_dma2 semaphore(%arg12 : memref<!tpu.dma_semaphore, #tpu.memory_space<semaphore_mem>>) src(%dma_wait3A_137 : memref<8x128xf32, #tpu.memory_space<vmem>>) dst(%dma_wait3A_134 : memref<8x128xf32, #tpu.memory_space<hbm>>)
    %dma_wait3A_138 = arith.constant 0 : i32
    %dma_wait3A_139 = arith.constant 0 : i32
    %dma_wait3A_140 = arith.constant 0 : i32
    %dma_wait3A_141 = tpu.memref_slice %arg9[%dma_wait3A_139, %dma_wait3A_140] : memref<64x128xf32, #tpu.memory_space<vmem>> -> memref<8x128xf32, #tpu.memory_space<vmem>>
    %dma_wait3A_142 = arith.constant 0 : i32
    %dma_wait3A_143 = arith.constant 0 : i32
    %dma_wait3A_144 = tpu.memref_slice %arg4[%dma_wait3A_138, %dma_wait3A_142, %dma_wait3A_143] : memref<51200x8x128xf32, #tpu.memory_space<hbm>> -> memref<1x8x128xf32, #tpu.memory_space<hbm>>
    %dma_wait3A_145 = tpu.memref_squeeze %dma_wait3A_144 : memref<1x8x128xf32, #tpu.memory_space<hbm>> -> memref<8x128xf32, #tpu.memory_space<hbm>>
    %dma_wait3A_146 = arith.constant 0 : i32
    %dma_wait3A_147 = arith.constant 0 : i32
    %dma_wait3A_148 = tpu.memref_slice %arg4[%dma_wait3A_138, %dma_wait3A_146, %dma_wait3A_147] : memref<51200x8x128xf32, #tpu.memory_space<hbm>> -> memref<1x8x128xf32, #tpu.memory_space<hbm>>
    %dma_wait3A_149 = tpu.memref_squeeze %dma_wait3A_148 : memref<1x8x128xf32, #tpu.memory_space<hbm>> -> memref<8x128xf32, #tpu.memory_space<hbm>>
    %dma_wait3A_150 = arith.constant 0 : i32
    %dma_wait3A_151 = arith.constant 0 : i32
    %dma_wait3A_152 = tpu.memref_slice %arg9[%dma_wait3A_150, %dma_wait3A_151] : memref<64x128xf32, #tpu.memory_space<vmem>> -> memref<8x128xf32, #tpu.memory_space<vmem>>
    tpu.wait_dma2 semaphore(%arg13 : memref<!tpu.dma_semaphore, #tpu.memory_space<semaphore_mem>>) src(%dma_wait3A_152 : memref<8x128xf32, #tpu.memory_space<vmem>>) dst(%dma_wait3A_149 : memref<8x128xf32, #tpu.memory_space<hbm>>)
    %dma_wait3A_153 = arith.constant 0 : i32
    %dma_wait3A_154 = arith.constant 8 : i32
    %dma_wait3A_155 = arith.constant 0 : i32
    %dma_wait3A_156 = tpu.memref_slice %arg9[%dma_wait3A_154, %dma_wait3A_155] : memref<64x128xf32, #tpu.memory_space<vmem>> -> memref<8x128xf32, #tpu.memory_space<vmem>>
    %dma_wait3A_157 = arith.constant 0 : i32
    %dma_wait3A_158 = arith.constant 0 : i32
    %dma_wait3A_159 = tpu.memref_slice %arg4[%dma_wait3A_153, %dma_wait3A_157, %dma_wait3A_158] : memref<51200x8x128xf32, #tpu.memory_space<hbm>> -> memref<1x8x128xf32, #tpu.memory_space<hbm>>
    %dma_wait3A_160 = tpu.memref_squeeze %dma_wait3A_159 : memref<1x8x128xf32, #tpu.memory_space<hbm>> -> memref<8x128xf32, #tpu.memory_space<hbm>>
    %dma_wait3A_161 = arith.constant 0 : i32
    %dma_wait3A_162 = arith.constant 0 : i32
    %dma_wait3A_163 = tpu.memref_slice %arg4[%dma_wait3A_153, %dma_wait3A_161, %dma_wait3A_162] : memref<51200x8x128xf32, #tpu.memory_space<hbm>> -> memref<1x8x128xf32, #tpu.memory_space<hbm>>
    %dma_wait3A_164 = tpu.memref_squeeze %dma_wait3A_163 : memref<1x8x128xf32, #tpu.memory_space<hbm>> -> memref<8x128xf32, #tpu.memory_space<hbm>>
    %dma_wait3A_165 = arith.constant 8 : i32
    %dma_wait3A_166 = arith.constant 0 : i32
    %dma_wait3A_167 = tpu.memref_slice %arg9[%dma_wait3A_165, %dma_wait3A_166] : memref<64x128xf32, #tpu.memory_space<vmem>> -> memref<8x128xf32, #tpu.memory_space<vmem>>
    tpu.wait_dma2 semaphore(%arg13 : memref<!tpu.dma_semaphore, #tpu.memory_space<semaphore_mem>>) src(%dma_wait3A_167 : memref<8x128xf32, #tpu.memory_space<vmem>>) dst(%dma_wait3A_164 : memref<8x128xf32, #tpu.memory_space<hbm>>)
    %dma_wait3A_168 = arith.constant 0 : i32
    %dma_wait3A_169 = arith.constant 16 : i32
    %dma_wait3A_170 = arith.constant 0 : i32
    %dma_wait3A_171 = tpu.memref_slice %arg9[%dma_wait3A_169, %dma_wait3A_170] : memref<64x128xf32, #tpu.memory_space<vmem>> -> memref<8x128xf32, #tpu.memory_space<vmem>>
    %dma_wait3A_172 = arith.constant 0 : i32
    %dma_wait3A_173 = arith.constant 0 : i32
    %dma_wait3A_174 = tpu.memref_slice %arg4[%dma_wait3A_168, %dma_wait3A_172, %dma_wait3A_173] : memref<51200x8x128xf32, #tpu.memory_space<hbm>> -> memref<1x8x128xf32, #tpu.memory_space<hbm>>
    %dma_wait3A_175 = tpu.memref_squeeze %dma_wait3A_174 : memref<1x8x128xf32, #tpu.memory_space<hbm>> -> memref<8x128xf32, #tpu.memory_space<hbm>>
    %dma_wait3A_176 = arith.constant 0 : i32
    %dma_wait3A_177 = arith.constant 0 : i32
    %dma_wait3A_178 = tpu.memref_slice %arg4[%dma_wait3A_168, %dma_wait3A_176, %dma_wait3A_177] : memref<51200x8x128xf32, #tpu.memory_space<hbm>> -> memref<1x8x128xf32, #tpu.memory_space<hbm>>
    %dma_wait3A_179 = tpu.memref_squeeze %dma_wait3A_178 : memref<1x8x128xf32, #tpu.memory_space<hbm>> -> memref<8x128xf32, #tpu.memory_space<hbm>>
    %dma_wait3A_180 = arith.constant 16 : i32
    %dma_wait3A_181 = arith.constant 0 : i32
    %dma_wait3A_182 = tpu.memref_slice %arg9[%dma_wait3A_180, %dma_wait3A_181] : memref<64x128xf32, #tpu.memory_space<vmem>> -> memref<8x128xf32, #tpu.memory_space<vmem>>
    tpu.wait_dma2 semaphore(%arg13 : memref<!tpu.dma_semaphore, #tpu.memory_space<semaphore_mem>>) src(%dma_wait3A_182 : memref<8x128xf32, #tpu.memory_space<vmem>>) dst(%dma_wait3A_179 : memref<8x128xf32, #tpu.memory_space<hbm>>)
    %dma_wait3A_183 = arith.constant 0 : i32
    %dma_wait3A_184 = arith.constant 24 : i32
    %dma_wait3A_185 = arith.constant 0 : i32
    %dma_wait3A_186 = tpu.memref_slice %arg9[%dma_wait3A_184, %dma_wait3A_185] : memref<64x128xf32, #tpu.memory_space<vmem>> -> memref<8x128xf32, #tpu.memory_space<vmem>>
    %dma_wait3A_187 = arith.constant 0 : i32
    %dma_wait3A_188 = arith.constant 0 : i32
    %dma_wait3A_189 = tpu.memref_slice %arg4[%dma_wait3A_183, %dma_wait3A_187, %dma_wait3A_188] : memref<51200x8x128xf32, #tpu.memory_space<hbm>> -> memref<1x8x128xf32, #tpu.memory_space<hbm>>
    %dma_wait3A_190 = tpu.memref_squeeze %dma_wait3A_189 : memref<1x8x128xf32, #tpu.memory_space<hbm>> -> memref<8x128xf32, #tpu.memory_space<hbm>>
    %dma_wait3A_191 = arith.constant 0 : i32
    %dma_wait3A_192 = arith.constant 0 : i32
    %dma_wait3A_193 = tpu.memref_slice %arg4[%dma_wait3A_183, %dma_wait3A_191, %dma_wait3A_192] : memref<51200x8x128xf32, #tpu.memory_space<hbm>> -> memref<1x8x128xf32, #tpu.memory_space<hbm>>
    %dma_wait3A_194 = tpu.memref_squeeze %dma_wait3A_193 : memref<1x8x128xf32, #tpu.memory_space<hbm>> -> memref<8x128xf32, #tpu.memory_space<hbm>>
    %dma_wait3A_195 = arith.constant 24 : i32
    %dma_wait3A_196 = arith.constant 0 : i32
    %dma_wait3A_197 = tpu.memref_slice %arg9[%dma_wait3A_195, %dma_wait3A_196] : memref<64x128xf32, #tpu.memory_space<vmem>> -> memref<8x128xf32, #tpu.memory_space<vmem>>
    tpu.wait_dma2 semaphore(%arg13 : memref<!tpu.dma_semaphore, #tpu.memory_space<semaphore_mem>>) src(%dma_wait3A_197 : memref<8x128xf32, #tpu.memory_space<vmem>>) dst(%dma_wait3A_194 : memref<8x128xf32, #tpu.memory_space<hbm>>)
    %dma_wait3A_198 = arith.constant 0 : i32
    %dma_wait3A_199 = arith.constant 32 : i32
    %dma_wait3A_200 = arith.constant 0 : i32
    %dma_wait3A_201 = tpu.memref_slice %arg9[%dma_wait3A_199, %dma_wait3A_200] : memref<64x128xf32, #tpu.memory_space<vmem>> -> memref<8x128xf32, #tpu.memory_space<vmem>>
    %dma_wait3A_202 = arith.constant 0 : i32
    %dma_wait3A_203 = arith.constant 0 : i32
    %dma_wait3A_204 = tpu.memref_slice %arg4[%dma_wait3A_198, %dma_wait3A_202, %dma_wait3A_203] : memref<51200x8x128xf32, #tpu.memory_space<hbm>> -> memref<1x8x128xf32, #tpu.memory_space<hbm>>
    %dma_wait3A_205 = tpu.memref_squeeze %dma_wait3A_204 : memref<1x8x128xf32, #tpu.memory_space<hbm>> -> memref<8x128xf32, #tpu.memory_space<hbm>>
    %dma_wait3A_206 = arith.constant 0 : i32
    %dma_wait3A_207 = arith.constant 0 : i32
    %dma_wait3A_208 = tpu.memref_slice %arg4[%dma_wait3A_198, %dma_wait3A_206, %dma_wait3A_207] : memref<51200x8x128xf32, #tpu.memory_space<hbm>> -> memref<1x8x128xf32, #tpu.memory_space<hbm>>
    %dma_wait3A_209 = tpu.memref_squeeze %dma_wait3A_208 : memref<1x8x128xf32, #tpu.memory_space<hbm>> -> memref<8x128xf32, #tpu.memory_space<hbm>>
    %dma_wait3A_210 = arith.constant 32 : i32
    %dma_wait3A_211 = arith.constant 0 : i32
    %dma_wait3A_212 = tpu.memref_slice %arg9[%dma_wait3A_210, %dma_wait3A_211] : memref<64x128xf32, #tpu.memory_space<vmem>> -> memref<8x128xf32, #tpu.memory_space<vmem>>
    tpu.wait_dma2 semaphore(%arg13 : memref<!tpu.dma_semaphore, #tpu.memory_space<semaphore_mem>>) src(%dma_wait3A_212 : memref<8x128xf32, #tpu.memory_space<vmem>>) dst(%dma_wait3A_209 : memref<8x128xf32, #tpu.memory_space<hbm>>)
    %dma_wait3A_213 = arith.constant 0 : i32
    %dma_wait3A_214 = arith.constant 40 : i32
    %dma_wait3A_215 = arith.constant 0 : i32
    %dma_wait3A_216 = tpu.memref_slice %arg9[%dma_wait3A_214, %dma_wait3A_215] : memref<64x128xf32, #tpu.memory_space<vmem>> -> memref<8x128xf32, #tpu.memory_space<vmem>>
    %dma_wait3A_217 = arith.constant 0 : i32
    %dma_wait3A_218 = arith.constant 0 : i32
    %dma_wait3A_219 = tpu.memref_slice %arg4[%dma_wait3A_213, %dma_wait3A_217, %dma_wait3A_218] : memref<51200x8x128xf32, #tpu.memory_space<hbm>> -> memref<1x8x128xf32, #tpu.memory_space<hbm>>
    %dma_wait3A_220 = tpu.memref_squeeze %dma_wait3A_219 : memref<1x8x128xf32, #tpu.memory_space<hbm>> -> memref<8x128xf32, #tpu.memory_space<hbm>>
    %dma_wait3A_221 = arith.constant 0 : i32
    %dma_wait3A_222 = arith.constant 0 : i32
    %dma_wait3A_223 = tpu.memref_slice %arg4[%dma_wait3A_213, %dma_wait3A_221, %dma_wait3A_222] : memref<51200x8x128xf32, #tpu.memory_space<hbm>> -> memref<1x8x128xf32, #tpu.memory_space<hbm>>
    %dma_wait3A_224 = tpu.memref_squeeze %dma_wait3A_223 : memref<1x8x128xf32, #tpu.memory_space<hbm>> -> memref<8x128xf32, #tpu.memory_space<hbm>>
    %dma_wait3A_225 = arith.constant 40 : i32
    %dma_wait3A_226 = arith.constant 0 : i32
    %dma_wait3A_227 = tpu.memref_slice %arg9[%dma_wait3A_225, %dma_wait3A_226] : memref<64x128xf32, #tpu.memory_space<vmem>> -> memref<8x128xf32, #tpu.memory_space<vmem>>
    tpu.wait_dma2 semaphore(%arg13 : memref<!tpu.dma_semaphore, #tpu.memory_space<semaphore_mem>>) src(%dma_wait3A_227 : memref<8x128xf32, #tpu.memory_space<vmem>>) dst(%dma_wait3A_224 : memref<8x128xf32, #tpu.memory_space<hbm>>)
    %dma_wait3A_228 = arith.constant 0 : i32
    %dma_wait3A_229 = arith.constant 48 : i32
    %dma_wait3A_230 = arith.constant 0 : i32
    %dma_wait3A_231 = tpu.memref_slice %arg9[%dma_wait3A_229, %dma_wait3A_230] : memref<64x128xf32, #tpu.memory_space<vmem>> -> memref<8x128xf32, #tpu.memory_space<vmem>>
    %dma_wait3A_232 = arith.constant 0 : i32
    %dma_wait3A_233 = arith.constant 0 : i32
    %dma_wait3A_234 = tpu.memref_slice %arg4[%dma_wait3A_228, %dma_wait3A_232, %dma_wait3A_233] : memref<51200x8x128xf32, #tpu.memory_space<hbm>> -> memref<1x8x128xf32, #tpu.memory_space<hbm>>
    %dma_wait3A_235 = tpu.memref_squeeze %dma_wait3A_234 : memref<1x8x128xf32, #tpu.memory_space<hbm>> -> memref<8x128xf32, #tpu.memory_space<hbm>>
    %dma_wait3A_236 = arith.constant 0 : i32
    %dma_wait3A_237 = arith.constant 0 : i32
    %dma_wait3A_238 = tpu.memref_slice %arg4[%dma_wait3A_228, %dma_wait3A_236, %dma_wait3A_237] : memref<51200x8x128xf32, #tpu.memory_space<hbm>> -> memref<1x8x128xf32, #tpu.memory_space<hbm>>
    %dma_wait3A_239 = tpu.memref_squeeze %dma_wait3A_238 : memref<1x8x128xf32, #tpu.memory_space<hbm>> -> memref<8x128xf32, #tpu.memory_space<hbm>>
    %dma_wait3A_240 = arith.constant 48 : i32
    %dma_wait3A_241 = arith.constant 0 : i32
    %dma_wait3A_242 = tpu.memref_slice %arg9[%dma_wait3A_240, %dma_wait3A_241] : memref<64x128xf32, #tpu.memory_space<vmem>> -> memref<8x128xf32, #tpu.memory_space<vmem>>
    tpu.wait_dma2 semaphore(%arg13 : memref<!tpu.dma_semaphore, #tpu.memory_space<semaphore_mem>>) src(%dma_wait3A_242 : memref<8x128xf32, #tpu.memory_space<vmem>>) dst(%dma_wait3A_239 : memref<8x128xf32, #tpu.memory_space<hbm>>)
    %dma_wait3A_243 = arith.constant 0 : i32
    %dma_wait3A_244 = arith.constant 56 : i32
    %dma_wait3A_245 = arith.constant 0 : i32
    %dma_wait3A_246 = tpu.memref_slice %arg9[%dma_wait3A_244, %dma_wait3A_245] : memref<64x128xf32, #tpu.memory_space<vmem>> -> memref<8x128xf32, #tpu.memory_space<vmem>>
    %dma_wait3A_247 = arith.constant 0 : i32
    %dma_wait3A_248 = arith.constant 0 : i32
    %dma_wait3A_249 = tpu.memref_slice %arg4[%dma_wait3A_243, %dma_wait3A_247, %dma_wait3A_248] : memref<51200x8x128xf32, #tpu.memory_space<hbm>> -> memref<1x8x128xf32, #tpu.memory_space<hbm>>
    %dma_wait3A_250 = tpu.memref_squeeze %dma_wait3A_249 : memref<1x8x128xf32, #tpu.memory_space<hbm>> -> memref<8x128xf32, #tpu.memory_space<hbm>>
    %dma_wait3A_251 = arith.constant 0 : i32
    %dma_wait3A_252 = arith.constant 0 : i32
    %dma_wait3A_253 = tpu.memref_slice %arg4[%dma_wait3A_243, %dma_wait3A_251, %dma_wait3A_252] : memref<51200x8x128xf32, #tpu.memory_space<hbm>> -> memref<1x8x128xf32, #tpu.memory_space<hbm>>
    %dma_wait3A_254 = tpu.memref_squeeze %dma_wait3A_253 : memref<1x8x128xf32, #tpu.memory_space<hbm>> -> memref<8x128xf32, #tpu.memory_space<hbm>>
    %dma_wait3A_255 = arith.constant 56 : i32
    %dma_wait3A_256 = arith.constant 0 : i32
    %dma_wait3A_257 = tpu.memref_slice %arg9[%dma_wait3A_255, %dma_wait3A_256] : memref<64x128xf32, #tpu.memory_space<vmem>> -> memref<8x128xf32, #tpu.memory_space<vmem>>
    tpu.wait_dma2 semaphore(%arg13 : memref<!tpu.dma_semaphore, #tpu.memory_space<semaphore_mem>>) src(%dma_wait3A_257 : memref<8x128xf32, #tpu.memory_space<vmem>>) dst(%dma_wait3A_254 : memref<8x128xf32, #tpu.memory_space<hbm>>)
    return
  }
}

</mosaic_0001>

<sc_bundles>
// kernel: _embed.3.cloned.1.call-start
scs
__scs_entry_jumppad:
0x0: {  	(pc) =	sbr.rel $0x88, $3  }
0x1: {  	(tag) =	ssettag $0x0;
	lr =	simm.s32 $0x1  }
0x2: {  	[smem:$0x3F9F] =	sst lr;
	_ =	strace $0xD0000000  }
0x3: {  	_ = 	snop  }
0x4: {  	_ = 	snop  }
0x5: {  	_ = 	snop  }
0x6: {  	_ = 	snop  }
0x7: {  	_ = 	snop  }
__scs_overlays_trampoline_lowered:
0x8: {  	[smem:$0x3FAE] =	sst s0  }
0x9: {  	[smem:$0x3FAF] =	sst s1  }
0xa: {  	[smem:$0x3FB0] =	sst s2  }
0xb: {  	[smem:$0x3FB1] =	sst s3  }
0xc: {  	[smem:$0x3FB2] =	sst s4  }
0xd: {  	[smem:$0x3FB3] =	sst s5  }
0xe: {  	[smem:$0x3FB4] =	sst s6  }
0xf: {  	[smem:$0x3FB5] =	sst s7  }
0x10: {  	[smem:$0x3FB6] =	sst s8  }
0x11: {  	[smem:$0x3FB7] =	sst s9;
	s0 =	simm.s32 @!p0 $0x0  }
0x12: {  	s1 =	sld [smem:$0x3F9D];
	s0 =	simm.s32 @p0 $0x1  }
0x13: {  	[smem:$0x3FB8] =	sst s0;
	s0 =	simm.s32 @!p1 $0x0  }
0x14: {  	s2 =	sld [smem:$0x3F9C];
	s0 =	simm.s32 @p1 $0x1  }
0x15: {  	[smem:$0x3FB9] =	sst s0;
	s0 =	simm.s32 @!p2 $0x0  }
0x16: {  	s3 =	sld [smem:$0x3FDB];
	s0 =	simm.s32 @p2 $0x1  }
0x17: {  	s4 =	simm.s32 $0x1BF5;
	[smem:$0x3FBB] =	sst s0  }
0x18: {  	s0 =	sld [smem:$0x3F9E];
	_ =	swait.ge [sflag:s4], $0x0  }
0x19: {  	s7 =	sld [smem:$0x3F9F]  }
0x1a: {  	s8 =	sadd.s32 $0xFFFFE003, lr  }
0x1b: {  	s9 =	sadd.s32 $0xFFFFFEF7, lr;
	s5 =	simm.s32 $0xFFFFFFFF;
	p2 =	slt.u32 s8, $0xFFFFF086  }
0x1c: {  	p1 =	slt.u32 s9, $0xF7A;
	s5 =	simm.s32 @!p2 $0x0  }
0x1d: {  	s5 =	simm.s32 @p1 $0x1;
	p0 =	seq.s32 s7, s2  }
0x1e: {  	s7 =	smul.u32 @!p0 $0xF7A, s2;
	p2 =	seq.s32 @!p0 s5, $0x0  }
0x1f: {  	s9 =	smul.u32 $0xF7A, s1;
	s8 =	simm.s32 @!p0 $0x1BF5;
	p2 =	por !p2, p0  }
0x20: {  	[sflag:s8] =	ssyncset.s32 @!p0 $0xFFFFF086;
	s6 =	sadd.s32 @!p0 s3, s7;
	s7 =	simm.s32 @!p0 $0x108  }
0x21: {  	s3 =	sadd.s32 s3, s9;
	s6 =	sadd.s32 @!p0 $0x88, s6;
	s7 =	simm.s32 @p2 $0x1082  }
0x22: {  	[simem:s7], [sflag:s8] =	dma.local @!p0 [hbm:s6], $0xF7A  }
0x23: {  	s9 =	sor.u32 $0xD0000000, s2;
	s6 =	simm.s32 $0x108;
	_ =	swait.ge @!p0 [sflag:s8], $0x0  }
0x24: {  	s3 =	sadd.s32 $0x88, s3;
	s6 =	simm.s32 @!p1 $0x1082;
	[sflag:s4] =	ssyncset.s32 $0xFFFFF086  }
0x25: {  	[simem:s6], [sflag:s4] =	dma.local [hbm:s3], $0xF7A  }
0x26: {  	[smem:$0x3F9F] =	sst s1;
	(tag) =	ssettag s2;
	_ =	strace s9  }
0x27: {  	s1 =	sld [smem:$0x3FAF]  }
0x28: {  	s2 =	sld [smem:$0x3FB0]  }
0x29: {  	s4 =	sld [smem:$0x3FB2]  }
0x2a: {  	p0 =	seq.s32 s5, $0x0;
	s5 =	sld [smem:$0x3FB3]  }
0x2b: {  	s6 =	sld [smem:$0x3FB4]  }
0x2c: {  	s7 =	sld [smem:$0x3FB5]  }
0x2d: {  	s3 =	simm.s32 $0x108;
	s8 =	sld [smem:$0x3FB6]  }
0x2e: {  	s3 =	simm.s32 @!p0 $0x1082;
	s9 =	sld [smem:$0x3FB7]  }
0x2f: {  	lr =	sadd.s32 s0, s3;
	s0 =	sld [smem:$0x3FAE]  }
0x30: {  	s3 =	sld [smem:$0x3FB1]  }
0x31: {  	[smem:$0x3FBA] =	sst s10  }
0x32: {  	s10 =	sld [smem:$0x3FB8];
	_ =	sdelay $0x3  }
0x33: {  	p0 =	seq.s32 s10, $0x1;
	s10 =	sld [smem:$0x3FBA];
	_ =	sdelay $0x3  }
0x34: {  	[smem:$0x3FBA] =	sst s10  }
0x35: {  	s10 =	sld [smem:$0x3FB9];
	_ =	sdelay $0x3  }
0x36: {  	p1 =	seq.s32 s10, $0x1;
	s10 =	sld [smem:$0x3FBA];
	_ =	sdelay $0x3  }
0x37: {  	[smem:$0x3FBA] =	sst s10  }
0x38: {  	s10 =	sld [smem:$0x3FBB]  }
0x39: {  	_ = 	snop;
	(pc) =	sbr.ind lr, $3  }
0x3a: {  	_ = 	snop  }
0x3b: {  	_ = 	snop  }
0x3c: {  	p2 =	seq.s32 s10, $0x1;
	s10 =	sld [smem:$0x3FBA]  }
0x3d: {  	_ =	shalt  }
0x3e: {  	_ =	shalt  }
0x3f: {  	_ =	shalt  }
0x40: {  	_ =	shalt  }
0x41: {  	_ =	shalt  }
0x42: {  	_ =	shalt  }
0x43: {  	_ =	shalt  }
0x44: {  	_ =	shalt  }
0x45: {  	_ =	shalt  }
0x46: {  	_ =	shalt  }
0x47: {  	_ =	shalt  }
0x48: {  	_ =	shalt  }
0x49: {  	_ =	shalt  }
0x4a: {  	_ =	shalt  }
0x4b: {  	_ =	shalt  }
0x4c: {  	_ =	shalt  }
0x4d: {  	_ =	shalt  }
0x4e: {  	_ =	shalt  }
0x4f: {  	_ =	shalt  }
0x50: {  	_ =	shalt  }
0x51: {  	_ =	shalt  }
0x52: {  	_ =	shalt  }
0x53: {  	_ =	shalt  }
0x54: {  	_ =	shalt  }
0x55: {  	_ =	shalt  }
0x56: {  	_ =	shalt  }
0x57: {  	_ =	shalt  }
0x58: {  	_ =	shalt  }
0x59: {  	_ =	shalt  }
0x5a: {  	_ =	shalt  }
0x5b: {  	_ =	shalt  }
0x5c: {  	_ =	shalt  }
0x5d: {  	_ =	shalt  }
0x5e: {  	_ =	shalt  }
0x5f: {  	_ =	shalt  }
0x60: {  	_ =	shalt  }
0x61: {  	_ =	shalt  }
0x62: {  	_ =	shalt  }
0x63: {  	_ =	shalt  }
0x64: {  	_ =	shalt  }
0x65: {  	_ =	shalt  }
0x66: {  	_ =	shalt  }
0x67: {  	_ =	shalt  }
0x68: {  	_ =	shalt  }
0x69: {  	_ =	shalt  }
0x6a: {  	_ =	shalt  }
0x6b: {  	_ =	shalt  }
0x6c: {  	_ =	shalt  }
0x6d: {  	_ =	shalt  }
0x6e: {  	_ =	shalt  }
0x6f: {  	_ =	shalt  }
0x70: {  	_ =	shalt  }
0x71: {  	_ =	shalt  }
0x72: {  	_ =	shalt  }
0x73: {  	_ =	shalt  }
0x74: {  	_ =	shalt  }
0x75: {  	_ =	shalt  }
0x76: {  	_ =	shalt  }
0x77: {  	_ =	shalt  }
0x78: {  	_ =	shalt  }
0x79: {  	_ =	shalt  }
0x7a: {  	_ =	shalt  }
0x7b: {  	_ =	shalt  }
0x7c: {  	_ =	shalt  }
0x7d: {  	_ =	shalt  }
0x7e: {  	_ =	shalt  }
0x7f: {  	_ =	shalt  }
0x80: {  	_ =	shalt  }
0x81: {  	_ =	shalt  }
0x82: {  	_ =	shalt  }
0x83: {  	_ =	shalt  }
0x84: {  	_ =	shalt  }
0x85: {  	_ =	shalt  }
0x86: {  	_ =	shalt  }
0x87: {  	_ =	shalt  }
.Lfunc_end0:
.L_simem_size_0:
called_computation_lowered:
.L_overlay_start_0:
0x88: {  	s2 =	sld [smem:$0x3FD9]  }
0x89: {  	s3 =	sld [smem:$0x3FFE];
	_ =	sdelay $0x1  }
0x8a: {  	s1 =	srdreg.scid  }
0x8b: {  	s0 =	sand.u32 $0x1, s1  }
0x8c: {  	s17 =	sshll.u32 s0, $0xA;
	s2 =	sadd.s32 s3, s2  }
0x8d: {  	s2 =	sadd.s32 s2, s17  }
0x8e: {  	[smem:$0x3FC6] =	sst s2  }
0x8f: {  	_ = 	snop  }
0x90: {  	s2 =	sld [smem:$0x3FC9]  }
0x91: {  	s18 =	sld [smem:$0x3FD0];
	(tm) =	ssettm $0x1  }
0x92: {  	s4 =	sld [smem:$0x3FFB];
	_ =	sdelay $0x3  }
0x93: {  	_ =	strace s4  }
0x94: {  	s4 =	sld [smem:$0x3FFC];
	_ =	sdelay $0x3  }
0x95: {  	_ =	strace s4  }
0x96: {  	s4 =	sld [smem:$0x3FFD];
	_ =	sdelay $0x3  }
0x97: {  	_ =	strace s4  }
0x98: {  	_ =	strace $0x8FFFFFFF  }
0x99: {  	s19 =	sld [smem:$0x3FDB];
	_ =	sdelay $0x1  }
0x9a: {  	s5 =	simm.s32 $_scs_section_size  }
0x9b: {  	s6 =	simm.s32 $_size__tile_overlayer_lowered;
	s7 =	simm.s32 $_tile_overlayer_lowered  }
0x9c: {  	s22 =	simm.s32 $0x1BFF;
	s21 =	sshll.u32 s7, $0x1;
	s4 =	sadd.s32 s5, s19  }
0x9d: {  	s8 =	simm.s32 $0x0;
	s20 =	sshll.u32 s6, $0x1;
	s6 =	sadd.s32 s21, s4  }
0x9e: {  	[timem:s8], [sflag:s22] =	dma.local [hbm:s6], s20  }
0x9f: {  	_ =	swait.ge [sflag:s22], s20  }
0xa0: {  	s5 =	ssub.s32 $0x0, s20;
	[sflag:s22] =	ssyncset.done $0x0  }
0xa1: {  	[sflag:s22] =	ssyncadd.s32 s5;
	_ =	sdelay $0x1  }
0xa2: {  	s23 =	simm.s32 $0x1B8B  }
0xa3: {  	_ =	swait.ge [sflag:s23], $0x1  }
0xa4: {  	[sflag:s23] =	ssyncset.done $0x0  }
0xa5: {  	s25 =	simm.s32 $0x1B8E;
	s24 =	sld [smem:$0x3FFE];
	[sflag:s23] =	ssyncadd.s32 $0xFFFFFFFF  }
0xa6: {  	s26 =	simm.s32 $execute0_lowered;
	[smem:$0x3FD2] =	sst s25  }
0xa7: {  	s6 =	sshll.u32 s26, $0x1;
	_ =	strace $0x80000046;
	[dreg:$0x1] =	wrdreg $0xFFFFFFFF  }
0xa8: {  	s28 =	simm.s32 $_size_execute0_lowered;
	s4 =	sadd.s32 s4, s6;
	[dreg:$0x0] =	wrdreg $0x0  }
0xa9: {  	s6 =	sshll.u32 s28, $0x1;
	[dreg:$0x2] =	wrdreg s4  }
0xaa: {  	[dreg:$0x3] =	wrdreg s6  }
0xab: {  	[dreg:$0x4] =	wrdreg $0xC0  }
0xac: {  	_ =	task [dreg:s8], $0x5FFFF  }
0xad: {  	[dreg:$0x1] =	wrdreg $0xFFFFFFFF  }
0xae: {  	[dreg:$0x0] =	wrdreg $0x60  }
0xaf: {  	[dreg:$0x2] =	wrdreg s2  }
0xb0: {  	[dreg:$0x3] =	wrdreg s24  }
0xb1: {  	[dreg:$0x4] =	wrdreg s18  }
0xb2: {  	[dreg:$0x5] =	wrdreg $0x9  }
0xb3: {  	_ =	task.clear_ibuf [dreg:s8], $0x6FFFF;
	_ =	strace $0x90000046  }
0xb4: {  	s29 =	simm.s32 $0x9;
	_ =	strace $0x80000048  }
0xb5: {  	_ =	swait.ge [sflag:s29], $0x1  }
0xb6: {  	[sflag:s29] =	ssyncadd.s32 $0xFFFFFFFF  }
0xb7: {  	_ =	strace $0x90000048  }
0xb8: {  	_ =	sfence  }
0xb9: {  	s30 =	sld [smem:$0x0];
	_ =	sdelay $0x2  }
0xba: {  	s31 =	sshll.u32 s1, $0xD;
	s1 =	sshrl.u32 s1, $0x2  }
0xbb: {  	s3 =	sand.u32 $0x4000, s31;
	s1 =	sadd.s32 s1, s30  }
0xbc: {  	s0 =	sor.u32 s3, s0;
	s1 =	sshll.u32 s1, $0x11  }
0xbd: {  	s0 =	sor.u32 s1, s0  }
0xbe: {  	s0 =	sadd.s32 $0x8F2B, s0  }
0xbf: {  	[sflag:s0] =	ssyncadd.remote.s32 $0x1  }
0xc0: {  	_ =	sfence.sel $0xFFFF  }
0xc1: {  	[dreg:$0x0] =	wrdreg $0xFFFFFFFF;
	(pc) =	sbr.abs _section_cstart, $3  }
0xc2: {  	[dreg:$0x1] =	wrdreg $0xFFFFFFFF  }
0xc3: {  	_ =	task.clear_ibuf [dreg:s8], $0x2FFFF;
	_ =	strace $0x9FFFFFFF  }
0xc4: {  	(tm) =	ssettm $0x7FFFFFFF  }
0xc5: {  	_ =	shalt  }
tec
execute0_lowered:
.L_overlay_start_1:
0x0: {  	(tag) =	ssettag $0x1  }
0x1: {  	s0 =	rddreg [dreg:$0x0]  }
0x2: {  	s1 =	rddreg [dreg:$0x1]  }
0x3: {  	s3 =	srdreg.scid;
	s5 =	stileid.u32  }
0x4: {  	s2 =	rddreg [dreg:$0x2];
	s12 =	simm.s32 $0x80;
	s13 =	simm.s32 $0x6400  }
0x5: {  	s14 =	simm.s32 $0x8400;
	s4 =	sand.u32 $0x1, s3;
	s5 =	sshll.u32 s5, $0x1  }
0x6: {  	s15 =	simm.s32 $0x1;
	s24 =	simm.s32 $0x2;
	s5 =	sor.u32 s4, s5  }
0x7: {  	v0 =	vlaneseq.u32;
	s3 =	simm.s32 $0x0;
	s9 =	sadd.s32 $0x18000, s2;
	s7 =	smul.u32 $0xC80, s5  }
.Ltmp0:
0x8: {  	v0 =	vmul.u32 $0x40, v0;
	[smem:$0x7FF] =	sst s3;
	s6 =	ssub.s32 $0x2, s4;
	(pc) =	sbr.rel .LBB2_1-.Ltmp0, $4  }
0x9: {  	s4 =	sadd.s32 $0xF42800, s1;
	_ =	strace $0x80000047;
	s8 =	sshrl.u32 s6, $0x1  }
0xa: {  	v1 =	vor.u32 $0x400, v0;
	s30 =	ssub.s32 s6, s8;
	s6 =	sshll.u32 s5, $0x2;
	s0 =	sadd.s32 s0, s7  }
0xb: {  	v2 =	vor.u32 $0x800, v0;
	v3 =	vor.u32 $0xC00, v0;
	v4 =	vor.u32 $0x1000, v0;
	s8 =	sadd.s32 $0x10000, s2;
	s31 =	smax.u32 s30, $0x1;
	[dreg:$0x4] =	wrdreg s0  }
0xc: {  	v5 =	vor.u32 $0x1400, v0;
	v6 =	vor.u32 $0x1800, v0;
	v7 =	vor.u32 $0x1C00, v0;
	s5 =	simm.s32 $0x0;
	s7 =	sadd.s32 $0x8000, s2;
	[dreg:$0x5] =	wrdreg s31  }
.LBB2_8:
0xd: {  	s0 =	simm.s32 $0x3  }
0xe: {  	_ =	swait.ge [sflag:s0], $0x400  }
0xf: {  	[sflag:s0] =	ssyncset.done $0x0  }
0x10: {  	[sflag:s0] =	ssyncadd.s32 $0xFFFFFC00  }
0x11: {  	_ =	swait.ge [sflag:s0], $0x400  }
0x12: {  	[sflag:s0] =	ssyncset.done $0x0  }
0x13: {  	[sflag:s0] =	ssyncadd.s32 $0xFFFFFC00  }
0x14: {  	_ =	swait.ge [sflag:s0], $0x400  }
0x15: {  	[sflag:s0] =	ssyncset.done $0x0  }
0x16: {  	[sflag:s0] =	ssyncadd.s32 $0xFFFFFC00  }
0x17: {  	_ =	swait.ge [sflag:s0], $0x400  }
0x18: {  	[sflag:s0] =	ssyncset.done $0x0  }
0x19: {  	[sflag:s0] =	ssyncadd.s32 $0xFFFFFC00  }
0x1a: {  	_ =	swait.ge [sflag:s0], $0x400  }
0x1b: {  	[sflag:s0] =	ssyncset.done $0x0  }
0x1c: {  	[sflag:s0] =	ssyncadd.s32 $0xFFFFFC00  }
0x1d: {  	_ =	swait.ge [sflag:s0], $0x400  }
0x1e: {  	[sflag:s0] =	ssyncset.done $0x0  }
0x1f: {  	[sflag:s0] =	ssyncadd.s32 $0xFFFFFC00  }
0x20: {  	_ =	swait.ge [sflag:s0], $0x400  }
0x21: {  	[sflag:s0] =	ssyncset.done $0x0  }
0x22: {  	[sflag:s0] =	ssyncadd.s32 $0xFFFFFC00  }
0x23: {  	_ =	swait.ge [sflag:s0], $0x400  }
0x24: {  	[sflag:s0] =	ssyncset.done $0x0  }
0x25: {  	s1 =	simm.s32 $0x4;
	[sflag:s0] =	ssyncadd.s32 $0xFFFFFC00  }
0x26: {  	_ =	swait.ge [sflag:s1], $0x400  }
0x27: {  	[sflag:s1] =	ssyncset.done $0x0  }
0x28: {  	[sflag:s1] =	ssyncadd.s32 $0xFFFFFC00  }
0x29: {  	_ =	swait.ge [sflag:s1], $0x400  }
0x2a: {  	[sflag:s1] =	ssyncset.done $0x0  }
0x2b: {  	[sflag:s1] =	ssyncadd.s32 $0xFFFFFC00  }
0x2c: {  	_ =	swait.ge [sflag:s1], $0x400  }
0x2d: {  	[sflag:s1] =	ssyncset.done $0x0  }
0x2e: {  	[sflag:s1] =	ssyncadd.s32 $0xFFFFFC00  }
0x2f: {  	_ =	swait.ge [sflag:s1], $0x400  }
0x30: {  	[sflag:s1] =	ssyncset.done $0x0  }
0x31: {  	[sflag:s1] =	ssyncadd.s32 $0xFFFFFC00  }
0x32: {  	_ =	swait.ge [sflag:s1], $0x400  }
0x33: {  	[sflag:s1] =	ssyncset.done $0x0  }
0x34: {  	[sflag:s1] =	ssyncadd.s32 $0xFFFFFC00  }
0x35: {  	_ =	swait.ge [sflag:s1], $0x400  }
0x36: {  	[sflag:s1] =	ssyncset.done $0x0  }
0x37: {  	[sflag:s1] =	ssyncadd.s32 $0xFFFFFC00  }
0x38: {  	_ =	swait.ge [sflag:s1], $0x400  }
0x39: {  	[sflag:s1] =	ssyncset.done $0x0  }
0x3a: {  	[sflag:s1] =	ssyncadd.s32 $0xFFFFFC00  }
0x3b: {  	_ =	swait.ge [sflag:s1], $0x400  }
0x3c: {  	s5 =	rddreg [dreg:$0x6]  }
0x3d: {  	s31 =	rddreg [dreg:$0x5];
	s5 =	sadd.s32 $0x1, s5  }
0x3e: {  	p0 =	sne.s32 s5, s31  }
.Ltmp1:
0x3f: {  	_ = 	snop;
	(pc) =	sbr.rel @!p0 .LBB2_9-.Ltmp1, $3  }
0x40: {  	_ =	sdelay $0x1  }
0x41: {  	[sflag:s1] =	ssyncset.done $0x0  }
0x42: {  	[sflag:s1] =	ssyncadd.s32 $0xFFFFFC00  }
.LBB2_1:
0x43: {  	[dreg:$0x6] =	wrdreg s5  }
0x44: {  	s0 =	rddreg [dreg:$0x4];
	s31 =	simm.s32 $0x5  }
0x45: {  	[tilespmem:s3], [sflag:$0x5] =	stream.linear.gather [hbm4b:s0+s3], $0x6400, $0x38;
	[tilespmem:$0xE400] =	vst v63  }
0x46: {  	_ =	swait.ge [sflag:s31], $0x6400  }
0x47: {  	[sflag:s31] =	ssyncset.done $0x0  }
0x48: {  	[sflag:s31] =	ssyncadd.s32 $0xFFFF9C00  }
0x49: {  	[tilespmem:s13], [sflag:$0x1] =	stream.indirect.gather [hbm4b:s4+s12], $0x40, s3, s12, $0xb8;
	[tilespmem:$0xE400] =	vst v63  }
0x4a: {  	s11 =	simm.s32 $0x0  }
0x4b: {  	[tilespmem:s14], [sflag:$0x2] =	stream.indirect.gather [hbm4b:s4+s12], $0x40, s12, s12, $0xb8;
	[tilespmem:$0xE400] =	vst v63  }
.LBB2_2:
0x4c: {  	_ =	swait.ge [sflag:s15], $0x2000  }
0x4d: {  	p0 =	seq.s32 s11, $0x0;
	[sflag:s15] =	ssyncset.done $0x0  }
0x4e: {  	s1 =	simm.s32 @!p0 $0x3;
	[sflag:s15] =	ssyncadd.s32 $0xFFFFE000  }
0x4f: {  	_ =	swait.ge @!p0 [sflag:s1], $0x400  }
0x50: {  	[sflag:s1] =	ssyncset.done @!p0 $0x0  }
0x51: {  	[sflag:s1] =	ssyncadd.s32 @!p0 $0xFFFFFC00  }
0x52: {  	_ =	swait.ge @!p0 [sflag:s1], $0x400  }
0x53: {  	[sflag:s1] =	ssyncset.done @!p0 $0x0  }
0x54: {  	[sflag:s1] =	ssyncadd.s32 @!p0 $0xFFFFFC00  }
0x55: {  	_ =	swait.ge @!p0 [sflag:s1], $0x400  }
0x56: {  	[sflag:s1] =	ssyncset.done @!p0 $0x0  }
0x57: {  	[sflag:s1] =	ssyncadd.s32 @!p0 $0xFFFFFC00  }
0x58: {  	_ =	swait.ge @!p0 [sflag:s1], $0x400  }
0x59: {  	[sflag:s1] =	ssyncset.done @!p0 $0x0  }
0x5a: {  	[sflag:s1] =	ssyncadd.s32 @!p0 $0xFFFFFC00  }
0x5b: {  	_ =	swait.ge @!p0 [sflag:s1], $0x400  }
0x5c: {  	[sflag:s1] =	ssyncset.done @!p0 $0x0  }
0x5d: {  	[sflag:s1] =	ssyncadd.s32 @!p0 $0xFFFFFC00  }
0x5e: {  	_ =	swait.ge @!p0 [sflag:s1], $0x400  }
0x5f: {  	[sflag:s1] =	ssyncset.done @!p0 $0x0  }
0x60: {  	[sflag:s1] =	ssyncadd.s32 @!p0 $0xFFFFFC00  }
0x61: {  	s0 =	simm.s32 $0x3;
	_ =	swait.ge @!p0 [sflag:s1], $0x400  }
0x62: {  	s10 =	simm.s32 $0x1;
	v8 =	vor.u32 s0, v0;
	[sflag:s1] =	ssyncset.done @!p0 $0x0  }
0x63: {  	s5 =	simm.s32 $0x2;
	v9 =	vor.u32 s10, v0;
	[sflag:s1] =	ssyncadd.s32 @!p0 $0xFFFFFC00  }
0x64: {  	v10 =	vor.u32 s5, v0;
	_ =	swait.ge @!p0 [sflag:s1], $0x400  }
0x65: {  	s26 =	simm.s32 $0x0;
	[sflag:s1] =	ssyncset.done @!p0 $0x0  }
0x66: {  	v11 =	vor.u32 s26, v0;
	[sflag:s1] =	ssyncadd.s32 @!p0 $0xFFFFFC00  }
0x67: {  	v8 =	vld.idx.msk [tilespmem:v8+s13+$0x0], $0xffff  }
0x68: {  	v12 =	vor.u32 s0, v1;
	v9 =	vld.idx.msk [tilespmem:v9+s13+$0x0], $0xffff  }
0x69: {  	v13 =	vor.u32 s10, v1;
	v10 =	vld.idx.msk [tilespmem:v10+s13+$0x0], $0xffff  }
0x6a: {  	v14 =	vor.u32 s5, v1  }
0x6b: {  	s21 =	simm.s32 $0xA500;
	v11 =	vld.idx.msk [tilespmem:v11+s13+$0x0], $0xffff  }
0x6c: {  	v15 =	vor.u32 s26, v1;
	[tilespmem:s21+$0x80] =	vst v8  }
0x6d: {  	[tilespmem:s21+$0xFFFFFF80] =	vst v9;
	v8 =	vld.idx.msk [tilespmem:v12+s13+$0x0], $0xffff  }
0x6e: {  	[tilespmem:s21+$0x0] =	vst v10;
	v10 =	vor.u32 s0, v2;
	v9 =	vld.idx.msk [tilespmem:v13+s13+$0x0], $0xffff  }
0x6f: {  	v12 =	vld.idx.msk [tilespmem:v14+s13+$0x0], $0xffff;
	v13 =	vor.u32 s10, v2  }
0x70: {  	[tilespmem:s21+$0xFFFFFF00] =	vst v11;
	v11 =	vor.u32 s5, v2  }
0x71: {  	v14 =	vld.idx.msk [tilespmem:v15+s13+$0x0], $0xffff  }
0x72: {  	v15 =	vor.u32 s26, v2;
	[tilespmem:s21+$0x90] =	vst v8  }
0x73: {  	[tilespmem:s21+$0xFFFFFF90] =	vst v9;
	v8 =	vld.idx.msk [tilespmem:v10+s13+$0x0], $0xffff  }
0x74: {  	[tilespmem:s21+$0x10] =	vst v12;
	v9 =	vld.idx.msk [tilespmem:v13+s13+$0x0], $0xffff;
	v10 =	vor.u32 s0, v3  }
0x75: {  	v12 =	vor.u32 s10, v3;
	v11 =	vld.idx.msk [tilespmem:v11+s13+$0x0], $0xffff  }
0x76: {  	s16 =	simm.s32 $0x4;
	[tilespmem:s21+$0xFFFFFF10] =	vst v14;
	v13 =	vor.u32 s5, v3  }
0x77: {  	v14 =	vor.u32 s16, v0;
	v15 =	vld.idx.msk [tilespmem:v15+s13+$0x0], $0xffff  }
0x78: {  	s18 =	simm.s32 $0x5;
	v16 =	vor.u32 s26, v3;
	[tilespmem:s21+$0xA0] =	vst v8  }
0x79: {  	v8 =	vor.u32 s18, v0;
	[tilespmem:s21+$0xFFFFFFA0] =	vst v9;
	v9 =	vld.idx.msk [tilespmem:v10+s13+$0x0], $0xffff  }
0x7a: {  	[tilespmem:s21+$0x20] =	vst v11;
	v11 =	vor.u32 s0, v4;
	v10 =	vld.idx.msk [tilespmem:v12+s13+$0x0], $0xffff  }
0x7b: {  	v12 =	vld.idx.msk [tilespmem:v13+s13+$0x0], $0xffff;
	v13 =	vor.u32 s10, v4  }
0x7c: {  	s22 =	simm.s32 $0x7;
	v14 =	vld.idx.msk [tilespmem:v14+s13+$0x0], $0xffff;
	[tilespmem:s21+$0xFFFFFF20] =	vst v15;
	v15 =	vor.u32 s5, v4  }
0x7d: {  	v17 =	vor.u32 s22, v0;
	v16 =	vld.idx.msk [tilespmem:v16+s13+$0x0], $0xffff  }
0x7e: {  	s17 =	simm.s32 $0x8;
	v18 =	vld.idx.msk [tilespmem:v8+s13+$0x0], $0xffff;
	v8 =	vor.u32 s26, v4;
	[tilespmem:s21+$0xB0] =	vst v9  }
0x7f: {  	s20 =	simm.s32 $0x6;
	v19 =	vor.u32 s17, v0;
	[tilespmem:s21+$0xFFFFFFB0] =	vst v10;
	v9 =	vld.idx.msk [tilespmem:v11+s13+$0x0], $0xffff  }
0x80: {  	v10 =	vor.u32 s20, v0;
	[tilespmem:s21+$0x30] =	vst v12;
	v11 =	vld.idx.msk [tilespmem:v13+s13+$0x0], $0xffff  }
0x81: {  	v12 =	vor.u32 s0, v5;
	v13 =	vld.idx.msk [tilespmem:v15+s13+$0x0], $0xffff  }
0x82: {  	[tilespmem:s21+$0xFFFFFF30] =	vst v16;
	v16 =	vld.idx.msk [tilespmem:v17+s13+$0x0], $0xffff;
	v17 =	vor.u32 s5, v5  }
0x83: {  	v21 =	vor.u32 s22, v1;
	v20 =	vld.idx.msk [tilespmem:v8+s13+$0x0], $0xffff  }
0x84: {  	v15 =	vor.u32 s10, v5;
	v8 =	vld.idx.msk [tilespmem:v19+s13+$0x0], $0xffff;
	[tilespmem:s21+$0xC0] =	vst v9  }
0x85: {  	v10 =	vld.idx.msk [tilespmem:v10+s13+$0x0], $0xffff;
	v9 =	vor.u32 s18, v1;
	[tilespmem:s21+$0xFFFFFFC0] =	vst v11  }
0x86: {  	s19 =	simm.s32 $0xA700;
	[tilespmem:s21+$0x40] =	vst v13;
	v11 =	vld.idx.msk [tilespmem:v12+s13+$0x0], $0xffff;
	v12 =	vor.u32 s20, v1  }
0x87: {  	[tilespmem:s19+$0x80] =	vst v16;
	v13 =	vld.idx.msk [tilespmem:v17+s13+$0x0], $0xffff;
	v17 =	vor.u32 s0, v6  }
0x88: {  	v19 =	vor.u32 s16, v1;
	v16 =	vld.idx.msk [tilespmem:v21+s13+$0x0], $0xffff  }
0x89: {  	[tilespmem:s19+$0xFFFFFF80] =	vst v18;
	v18 =	vor.u32 s26, v5;
	v15 =	vld.idx.msk [tilespmem:v15+s13+$0x0], $0xffff  }
0x8a: {  	[tilespmem:s19+$0x0] =	vst v10;
	v10 =	vor.u32 s10, v6;
	v9 =	vld.idx.msk [tilespmem:v9+s13+$0x0], $0xffff  }
0x8b: {  	v21 =	vor.u32 s22, v2;
	v12 =	vld.idx.msk [tilespmem:v12+s13+$0x0], $0xffff;
	[tilespmem:s21+$0xD0] =	vst v11  }
0x8c: {  	[tilespmem:s19+$0xFFFFFF00] =	vst v14;
	v11 =	vor.u32 s18, v2;
	v14 =	vld.idx.msk [tilespmem:v17+s13+$0x0], $0xffff  }
0x8d: {  	[tilespmem:s21+$0xFFFFFF40] =	vst v20;
	v17 =	vld.idx.msk [tilespmem:v19+s13+$0x0], $0xffff;
	v19 =	vor.u32 s20, v2  }
0x8e: {  	v18 =	vld.idx.msk [tilespmem:v18+s13+$0x0], $0xffff;
	[tilespmem:s21+$0xFFFFFFD0] =	vst v15;
	v15 =	vor.u32 s0, v7  }
0x8f: {  	v20 =	vor.u32 s16, v2;
	[tilespmem:s19+$0x90] =	vst v16;
	v16 =	vld.idx.msk [tilespmem:v10+s13+$0x0], $0xffff  }
0x90: {  	s23 =	simm.s32 $0x9;
	v10 =	vor.u32 s5, v6;
	[tilespmem:s19+$0xFFFFFF90] =	vst v9;
	v9 =	vld.idx.msk [tilespmem:v21+s13+$0x0], $0xffff  }
0x91: {  	v22 =	vor.u32 s23, v0;
	v11 =	vld.idx.msk [tilespmem:v11+s13+$0x0], $0xffff;
	[tilespmem:s19+$0x10] =	vst v12  }
0x92: {  	v21 =	vor.u32 s22, v3;
	v19 =	vld.idx.msk [tilespmem:v19+s13+$0x0], $0xffff;
	[tilespmem:s21+$0xE0] =	vst v14  }
0x93: {  	v12 =	vor.u32 s26, v6;
	[tilespmem:s19+$0xFFFFFF10] =	vst v17;
	v15 =	vld.idx.msk [tilespmem:v15+s13+$0x0], $0xffff  }
0x94: {  	[tilespmem:s21+$0x50] =	vst v13;
	v14 =	vor.u32 s18, v3;
	v17 =	vld.idx.msk [tilespmem:v20+s13+$0x0], $0xffff  }
0x95: {  	[tilespmem:s21+$0xFFFFFF50] =	vst v18;
	v20 =	vor.u32 s20, v3;
	v23 =	vld.idx.msk [tilespmem:v10+s13+$0x0], $0xffff  }
0x96: {  	s29 =	smul.u32 $0x29, s11;
	v24 =	vor.u32 s16, v3;
	[tilespmem:s19+$0xA0] =	vst v9;
	v9 =	vld.idx.msk [tilespmem:v22+s13+$0x0], $0xffff  }
0x97: {  	[tilespmem:s19+$0xFFFFFFA0] =	vst v11;
	v13 =	vld.idx.msk [tilespmem:v21+s13+$0x0], $0xffff;
	v21 =	vor.u32 s10, v7  }
0x98: {  	s0 =	sshrl.u32 s29, $0xA;
	v10 =	vld.idx.msk [tilespmem:v12+s13+$0x0], $0xffff;
	[tilespmem:s19+$0x20] =	vst v19;
	v19 =	vor.u32 s5, v7  }
0x99: {  	s0 =	sand.u32 $0x3F, s0;
	v11 =	vld.idx.msk [tilespmem:v14+s13+$0x0], $0xffff;
	[tilespmem:s19+$0xFFFFFF20] =	vst v17;
	v17 =	vor.u32 s22, v4  }
0x9a: {  	s30 =	smul.u32 $0x3FFFCE, s0;
	v18 =	vor.u32 s18, v4;
	[tilespmem:s21+$0xFFFFFFE0] =	vst v16;
	v12 =	vld.idx.msk [tilespmem:v20+s13+$0x0], $0xffff  }
0x9b: {  	s31 =	sshll.u32 s11, $0x1;
	s25 =	simm.s32 $0xB;
	[tilespmem:s21+$0xF0] =	vst v15;
	v20 =	vor.u32 s20, v4;
	v15 =	vld.idx.msk [tilespmem:v24+s13+$0x0], $0xffff  }
0x9c: {  	s28 =	simm.s32 $0xC;
	s10 =	sadd.s32 s31, s30;
	s5 =	sadd.s32 s0, s6;
	v14 =	vor.u32 s26, v7;
	[tilespmem:s21+$0x60] =	vst v23;
	v16 =	vld.idx.msk [tilespmem:v21+s13+$0x0], $0xffff  }
.LBB2_3:
0x9d: {  	p1 =	slt.u32 s28, $0x3C;
	v21 =	vor.u32 s25, v0;
	[tilespmem:s19+$0xB0] =	vst v13;
	v13 =	vld.idx.msk [tilespmem:v19+s13+$0x0], $0xffff;
	s1 =	smov.u32 s17;
	s17 =	smov.u32 s28  }
0x9e: {  	v19 =	vor.u32 s16, v4;
	s26 =	sadd.s32 $0x2, s1;
	[tilespmem:s19+$0xFFFFFFB0] =	vst v11;
	v11 =	vld.idx.msk [tilespmem:v17+s13+$0x0], $0xffff  }
0x9f: {  	v17 =	vor.u32 s26, v0;
	v18 =	vld.idx.msk [tilespmem:v18+s13+$0x0], $0xffff;
	[tilespmem:s19+$0x30] =	vst v12  }
0xa0: {  	v12 =	vld.idx.msk [tilespmem:v20+s13+$0x0], $0xffff;
	v20 =	vor.u32 s22, v5;
	[tilespmem:s21+$0xFFFFFF60] =	vst v10  }
0xa1: {  	v10 =	vor.u32 s18, v5;
	[tilespmem:s19+$0xFFFFFF30] =	vst v15;
	v14 =	vld.idx.msk [tilespmem:v14+s13+$0x0], $0xffff  }
0xa2: {  	v15 =	vld.idx.msk [tilespmem:v21+s13+$0x0], $0xffff;
	v21 =	vor.u32 s20, v5;
	[tilespmem:s21+$0xFFFFFFF0] =	vst v16  }
0xa3: {  	v16 =	vor.u32 s28, v0;
	v19 =	vld.idx.msk [tilespmem:v19+s13+$0x0], $0xffff;
	[tilespmem:s21+$0x70] =	vst v13  }
0xa4: {  	v13 =	vld.idx.msk [tilespmem:v17+s13+$0x0], $0xffff;
	v17 =	vor.u32 s25, v1;
	[tilespmem:s19+$0xC0] =	vst v11  }
0xa5: {  	v11 =	vor.u32 s23, v1;
	[tilespmem:s19+$0xFFFFFFC0] =	vst v18;
	v18 =	vld.idx.msk [tilespmem:v20+s13+$0x0], $0xffff  }
0xa6: {  	v20 =	vor.u32 s26, v1;
	v10 =	vld.idx.msk [tilespmem:v10+s13+$0x0], $0xffff;
	[tilespmem:s19+$0x40] =	vst v12  }
0xa7: {  	v12 =	vld.idx.msk [tilespmem:v21+s13+$0x0], $0xffff;
	v21 =	vor.u32 s22, v6;
	[tilespmem:s21+$0xFFFFFF70] =	vst v14;
	s21 =	smov.u32 s19;
	s19 =	sadd.s32 $0x200, s19  }
0xa8: {  	v14 =	vld.idx.msk [tilespmem:v16+s13+$0x0], $0xffff;
	v16 =	vor.u32 s1, v1;
	[tilespmem:s19+$0x80] =	vst v15  }
0xa9: {  	v15 =	vor.u32 s16, v5;
	[tilespmem:s19+$0xFFFFFF80] =	vst v9;
	v9 =	vld.idx.msk [tilespmem:v17+s13+$0x0], $0xffff  }
0xaa: {  	v11 =	vld.idx.msk [tilespmem:v11+s13+$0x0], $0xffff;
	[tilespmem:s19+$0x0] =	vst v13;
	v13 =	vor.u32 s18, v6  }
0xab: {  	v17 =	vld.idx.msk [tilespmem:v20+s13+$0x0], $0xffff;
	v20 =	vor.u32 s25, v2;
	[tilespmem:s21+$0xD0] =	vst v18  }
0xac: {  	v18 =	vor.u32 s23, v2;
	[tilespmem:s19+$0xFFFFFF00] =	vst v8;
	v21 =	vld.idx.msk [tilespmem:v21+s13+$0x0], $0xffff  }
0xad: {  	v22 =	vor.u32 s26, v2;
	v16 =	vld.idx.msk [tilespmem:v16+s13+$0x0], $0xffff;
	[tilespmem:s21+$0xFFFFFF40] =	vst v19  }
0xae: {  	v8 =	vmov v14;
	v15 =	vld.idx.msk [tilespmem:v15+s13+$0x0], $0xffff;
	[tilespmem:s21+$0xFFFFFFD0] =	vst v10;
	v10 =	vor.u32 s22, v7;
	s22 =	smov.u32 s25  }
0xaf: {  	v14 =	vor.u32 s1, v2;
	[tilespmem:s19+$0x90] =	vst v9;
	v23 =	vld.idx.msk [tilespmem:v13+s13+$0x0], $0xffff  }
0xb0: {  	[tilespmem:s19+$0xFFFFFF90] =	vst v11;
	v9 =	vld.idx.msk [tilespmem:v20+s13+$0x0], $0xffff;
	v11 =	vor.u32 s20, v6  }
0xb1: {  	v13 =	vld.idx.msk [tilespmem:v18+s13+$0x0], $0xffff;
	[tilespmem:s19+$0x10] =	vst v17;
	v17 =	vor.u32 s16, v6  }
0xb2: {  	v19 =	vor.u32 s22, v3;
	v18 =	vld.idx.msk [tilespmem:v22+s13+$0x0], $0xffff;
	[tilespmem:s21+$0xE0] =	vst v21  }
0xb3: {  	[tilespmem:s19+$0xFFFFFF10] =	vst v16;
	v16 =	vor.u32 s23, v3;
	v20 =	vld.idx.msk [tilespmem:v10+s13+$0x0], $0xffff  }
0xb4: {  	s0 =	sadd.s32 $0x1, s28;
	v21 =	vor.u32 s26, v3;
	v14 =	vld.idx.msk [tilespmem:v14+s13+$0x0], $0xffff;
	[tilespmem:s21+$0x50] =	vst v12  }
0xb5: {  	v22 =	vor.u32 s0, v0;
	[tilespmem:s21+$0xFFFFFF50] =	vst v15;
	v24 =	vld.idx.msk [tilespmem:v11+s13+$0x0], $0xffff  }
0xb6: {  	v15 =	vor.u32 s1, v3;
	[tilespmem:s19+$0xA0] =	vst v9;
	v10 =	vld.idx.msk [tilespmem:v17+s13+$0x0], $0xffff  }
0xb7: {  	v25 =	vor.u32 s18, v7;
	s18 =	smov.u32 s23;
	s23 =	smov.u32 s0;
	[tilespmem:s19+$0xFFFFFFA0] =	vst v13;
	v13 =	vld.idx.msk [tilespmem:v19+s13+$0x0], $0xffff  }
.Ltmp2:
0xb8: {  	v19 =	vor.u32 s20, v7;
	s20 =	smov.u32 s26;
	v11 =	vld.idx.msk [tilespmem:v16+s13+$0x0], $0xffff;
	[tilespmem:s19+$0x20] =	vst v18;
	(pc) =	sbr.rel @p1 .LBB2_3-.Ltmp2, $4  }
0xb9: {  	v17 =	vor.u32 s22, v4;
	v12 =	vld.idx.msk [tilespmem:v21+s13+$0x0], $0xffff;
	[tilespmem:s21+$0xF0] =	vst v20  }
0xba: {  	v18 =	vor.u32 s18, v4;
	v9 =	vld.idx.msk [tilespmem:v22+s13+$0x0], $0xffff;
	[tilespmem:s19+$0xFFFFFF20] =	vst v14  }
0xbb: {  	v20 =	vor.u32 s20, v4;
	v15 =	vld.idx.msk [tilespmem:v15+s13+$0x0], $0xffff;
	[tilespmem:s21+$0xFFFFFFE0] =	vst v23  }
0xbc: {  	s28 =	sadd.s32 $0x4, s28;
	s25 =	sadd.s32 $0x3, s17;
	v14 =	vor.u32 s16, v7;
	s16 =	smov.u32 s1;
	v16 =	vld.idx.msk [tilespmem:v25+s13+$0x0], $0xffff;
	[tilespmem:s21+$0x60] =	vst v24  }
0xbd: {  	_ =	sdelay $0x2  }
0xbe: {  	v21 =	vor.u32 s25, v0;
	[tilespmem:s19+$0xB0] =	vst v13  }
0xbf: {  	v13 =	vld.idx.msk [tilespmem:v19+s13+$0x0], $0xffff;
	s26 =	sadd.s32 $0x2, s17;
	[tilespmem:s19+$0xFFFFFFB0] =	vst v11  }
0xc0: {  	[tilespmem:s21+$0xFFFFFF60] =	vst v10;
	v11 =	vld.idx.msk [tilespmem:v17+s13+$0x0], $0xffff;
	v17 =	vor.u32 s26, v0  }
0xc1: {  	[tilespmem:s19+$0x30] =	vst v12;
	v12 =	vld.idx.msk [tilespmem:v18+s13+$0x0], $0xffff  }
0xc2: {  	v10 =	vld.idx.msk [tilespmem:v20+s13+$0x0], $0xffff;
	[tilespmem:s19+$0xFFFFFF30] =	vst v15  }
0xc3: {  	v15 =	vor.u32 s22, v5;
	[tilespmem:s21+$0xFFFFFFF0] =	vst v16;
	v18 =	vld.idx.msk [tilespmem:v21+s13+$0x0], $0xffff  }
0xc4: {  	[tilespmem:s21+$0x70] =	vst v13;
	v13 =	vor.u32 s25, v1  }
0xc5: {  	v16 =	vld.idx.msk [tilespmem:v17+s13+$0x0], $0xffff;
	[tilespmem:s19+$0xC0] =	vst v11;
	v11 =	vor.u32 s23, v1  }
0xc6: {  	[tilespmem:s19+$0xFFFFFFC0] =	vst v12;
	v12 =	vor.u32 s26, v1  }
0xc7: {  	s1 =	sadd.s32 $0x200, s19;
	v14 =	vld.idx.msk [tilespmem:v14+s13+$0x0], $0xffff;
	[tilespmem:s19+$0x40] =	vst v10;
	v10 =	vor.u32 s17, v1  }
0xc8: {  	v17 =	vor.u32 s16, v4;
	v15 =	vld.idx.msk [tilespmem:v15+s13+$0x0], $0xffff;
	[tilespmem:s1+$0x80] =	vst v18  }
0xc9: {  	[tilespmem:s1+$0xFFFFFF80] =	vst v9;
	v18 =	vor.u32 s18, v5;
	v9 =	vld.idx.msk [tilespmem:v13+s13+$0x0], $0xffff  }
0xca: {  	v11 =	vld.idx.msk [tilespmem:v11+s13+$0x0], $0xffff;
	[tilespmem:s1+$0x0] =	vst v16;
	v13 =	vor.u32 s25, v2  }
0xcb: {  	[tilespmem:s1+$0xFFFFFF00] =	vst v8;
	v8 =	vor.u32 s23, v2;
	v12 =	vld.idx.msk [tilespmem:v12+s13+$0x0], $0xffff  }
0xcc: {  	[tilespmem:s21+$0xFFFFFF70] =	vst v14;
	v14 =	vor.u32 s26, v2;
	v10 =	vld.idx.msk [tilespmem:v10+s13+$0x0], $0xffff  }
0xcd: {  	v16 =	vld.idx.msk [tilespmem:v17+s13+$0x0], $0xffff;
	[tilespmem:s19+$0xD0] =	vst v15;
	v15 =	vor.u32 s17, v2  }
0xce: {  	v17 =	vld.idx.msk [tilespmem:v18+s13+$0x0], $0xffff;
	v18 =	vor.u32 s22, v6;
	[tilespmem:s1+$0x90] =	vst v9  }
0xcf: {  	v9 =	vor.u32 s20, v5;
	[tilespmem:s1+$0xFFFFFF90] =	vst v11;
	v11 =	vld.idx.msk [tilespmem:v13+s13+$0x0], $0xffff  }
0xd0: {  	v8 =	vld.idx.msk [tilespmem:v8+s13+$0x0], $0xffff;
	[tilespmem:s1+$0x10] =	vst v12;
	v12 =	vor.u32 s25, v3  }
0xd1: {  	[tilespmem:s1+$0xFFFFFF10] =	vst v10;
	v10 =	vor.u32 s23, v3;
	v13 =	vld.idx.msk [tilespmem:v14+s13+$0x0], $0xffff  }
0xd2: {  	[tilespmem:s19+$0xFFFFFF40] =	vst v16;
	v14 =	vld.idx.msk [tilespmem:v15+s13+$0x0], $0xffff;
	v15 =	vor.u32 s26, v3  }
0xd3: {  	v16 =	vld.idx.msk [tilespmem:v18+s13+$0x0], $0xffff;
	[tilespmem:s19+$0xFFFFFFD0] =	vst v17;
	v17 =	vor.u32 s17, v3  }
0xd4: {  	v18 =	vor.u32 s16, v5;
	v9 =	vld.idx.msk [tilespmem:v9+s13+$0x0], $0xffff;
	[tilespmem:s1+$0xA0] =	vst v11  }
0xd5: {  	v11 =	vor.u32 s22, v7;
	[tilespmem:s1+$0xFFFFFFA0] =	vst v8;
	v8 =	vld.idx.msk [tilespmem:v12+s13+$0x0], $0xffff  }
0xd6: {  	v10 =	vld.idx.msk [tilespmem:v10+s13+$0x0], $0xffff;
	[tilespmem:s1+$0x20] =	vst v13;
	v12 =	vor.u32 s25, v4  }
0xd7: {  	[tilespmem:s1+$0xFFFFFF20] =	vst v14;
	v14 =	vor.u32 s23, v4;
	v13 =	vld.idx.msk [tilespmem:v15+s13+$0x0], $0xffff  }
0xd8: {  	[tilespmem:s19+$0xE0] =	vst v16;
	v15 =	vld.idx.msk [tilespmem:v17+s13+$0x0], $0xffff;
	v16 =	vor.u32 s26, v4  }
0xd9: {  	v17 =	vld.idx.msk [tilespmem:v18+s13+$0x0], $0xffff;
	[tilespmem:s19+$0x50] =	vst v9;
	v9 =	vor.u32 s17, v4  }
0xda: {  	v18 =	vor.u32 s18, v6;
	v11 =	vld.idx.msk [tilespmem:v11+s13+$0x0], $0xffff;
	[tilespmem:s1+$0xB0] =	vst v8  }
0xdb: {  	v8 =	vor.u32 s20, v6;
	[tilespmem:s1+$0xFFFFFFB0] =	vst v10;
	v10 =	vld.idx.msk [tilespmem:v12+s13+$0x0], $0xffff  }
0xdc: {  	v12 =	vld.idx.msk [tilespmem:v14+s13+$0x0], $0xffff;
	[tilespmem:s1+$0x30] =	vst v13;
	v13 =	vor.u32 s25, v5  }
0xdd: {  	v14 =	vld.idx.msk [tilespmem:v16+s13+$0x0], $0xffff;
	[tilespmem:s1+$0xFFFFFF30] =	vst v15;
	v15 =	vor.u32 s23, v5  }
0xde: {  	[tilespmem:s19+$0xFFFFFF50] =	vst v17;
	v16 =	vor.u32 s26, v5;
	v9 =	vld.idx.msk [tilespmem:v9+s13+$0x0], $0xffff  }
0xdf: {  	v17 =	vld.idx.msk [tilespmem:v18+s13+$0x0], $0xffff;
	[tilespmem:s19+$0xF0] =	vst v11;
	v11 =	vor.u32 s17, v5  }
0xe0: {  	v18 =	vor.u32 s16, v6;
	v8 =	vld.idx.msk [tilespmem:v8+s13+$0x0], $0xffff;
	[tilespmem:s1+$0xC0] =	vst v10  }
0xe1: {  	v10 =	vor.u32 s18, v7;
	[tilespmem:s1+$0xFFFFFFC0] =	vst v12;
	v12 =	vld.idx.msk [tilespmem:v13+s13+$0x0], $0xffff  }
0xe2: {  	v13 =	vld.idx.msk [tilespmem:v15+s13+$0x0], $0xffff;
	[tilespmem:s1+$0x40] =	vst v14;
	v14 =	vor.u32 s25, v6  }
0xe3: {  	v15 =	vld.idx.msk [tilespmem:v16+s13+$0x0], $0xffff;
	v16 =	vor.u32 s23, v6;
	[tilespmem:s1+$0xFFFFFF40] =	vst v9  }
0xe4: {  	[tilespmem:s19+$0xFFFFFFE0] =	vst v17;
	v9 =	vld.idx.msk [tilespmem:v11+s13+$0x0], $0xffff;
	v11 =	vor.u32 s26, v6  }
0xe5: {  	v17 =	vld.idx.msk [tilespmem:v18+s13+$0x0], $0xffff;
	[tilespmem:s19+$0x60] =	vst v8;
	v8 =	vor.u32 s17, v6  }
0xe6: {  	v18 =	vor.u32 s20, v7;
	v10 =	vld.idx.msk [tilespmem:v10+s13+$0x0], $0xffff;
	[tilespmem:s1+$0xD0] =	vst v12  }
0xe7: {  	v12 =	vor.u32 s16, v7;
	[tilespmem:s1+$0xFFFFFFD0] =	vst v13;
	v14 =	vld.idx.msk [tilespmem:v14+s13+$0x0], $0xffff  }
0xe8: {  	v13 =	vor.u32 s25, v7;
	v16 =	vld.idx.msk [tilespmem:v16+s13+$0x0], $0xffff;
	[tilespmem:s1+$0x50] =	vst v15  }
0xe9: {  	[tilespmem:s1+$0xFFFFFF50] =	vst v9;
	v9 =	vld.idx.msk [tilespmem:v11+s13+$0x0], $0xffff;
	v11 =	vor.u32 s23, v7  }
0xea: {  	[tilespmem:s19+$0xFFFFFF60] =	vst v17;
	v15 =	vor.u32 s26, v7;
	v8 =	vld.idx.msk [tilespmem:v8+s13+$0x0], $0xffff  }
0xeb: {  	v17 =	vld.idx.msk [tilespmem:v18+s13+$0x0], $0xffff;
	[tilespmem:s19+$0xFFFFFFF0] =	vst v10;
	v10 =	vor.u32 s17, v7  }
0xec: {  	v12 =	vld.idx.msk [tilespmem:v12+s13+$0x0], $0xffff;
	[tilespmem:s1+$0xE0] =	vst v14  }
0xed: {  	[tilespmem:s1+$0xFFFFFFE0] =	vst v16;
	v13 =	vld.idx.msk [tilespmem:v13+s13+$0x0], $0xffff  }
0xee: {  	v11 =	vld.idx.msk [tilespmem:v11+s13+$0x0], $0xffff;
	[tilespmem:s1+$0x60] =	vst v9  }
0xef: {  	v9 =	vld.idx.msk [tilespmem:v15+s13+$0x0], $0xffff;
	[tilespmem:s1+$0xFFFFFF60] =	vst v8  }
0xf0: {  	s0 =	sshll.u32 s10, $0xA;
	[tilespmem:s19+$0x70] =	vst v17;
	v8 =	vld.idx.msk [tilespmem:v10+s13+$0x0], $0xffff  }
0xf1: {  	s26 =	sor.u32 s5, s0;
	[tilespmem:s19+$0xFFFFFF70] =	vst v12  }
0xf2: {  	s16 =	sshll.u32 s26, $0x7;
	[tilespmem:s1+$0xF0] =	vst v13  }
0xf3: {  	s19 =	sand.u32 $0x1FFE7F80, s16;
	s16 =	sadd.s32 $0x80, s5;
	[tilespmem:s1+$0xFFFFFFF0] =	vst v11  }
0xf4: {  	s20 =	sor.u32 s0, s16;
	[tilespmem:s1+$0x70] =	vst v9  }
0xf5: {  	s18 =	simm.s32 $0xA400;
	s17 =	sadd.s32 s2, s19;
	[tilespmem:s1+$0xFFFFFF70] =	vst v8;
	s1 =	sshll.u32 s20, $0x7  }
0xf6: {  	[hbm4b:s17+s3] =	stream.linear.scatter [tilespmem:s18], [sflag:$0x3], $0x400, $0x38;
	[tilespmem:$0xE400] =	vst v63  }
0xf7: {  	s1 =	sand.u32 $0x1FFEFF80, s1;
	s17 =	sadd.s32 $0x180, s5  }
0xf8: {  	s21 =	simm.s32 $0xA800;
	s1 =	sadd.s32 s2, s1;
	s25 =	sor.u32 s0, s17  }
0xf9: {  	[hbm4b:s1+s3] =	stream.linear.scatter [tilespmem:s21], [sflag:$0x3], $0x400, $0x38;
	[tilespmem:$0xE400] =	vst v63  }
0xfa: {  	s1 =	sshll.u32 s25, $0x7  }
0xfb: {  	s23 =	simm.s32 $0xAC00;
	s22 =	sadd.s32 s19, s7;
	s1 =	sand.u32 $0x1FFFFF80, s1  }
0xfc: {  	[hbm4b:s22+s3] =	stream.linear.scatter [tilespmem:s23], [sflag:$0x3], $0x400, $0x38;
	[tilespmem:$0xE400] =	vst v63  }
0xfd: {  	s26 =	simm.s32 $0xB000;
	s1 =	sadd.s32 s2, s1  }
0xfe: {  	[hbm4b:s1+s3] =	stream.linear.scatter [tilespmem:s26], [sflag:$0x3], $0x400, $0x38;
	[tilespmem:$0xE400] =	vst v63  }
0xff: {  	s20 =	simm.s32 $0xB400;
	s18 =	sadd.s32 s19, s8  }
0x100: {  	[hbm4b:s18+s3] =	stream.linear.scatter [tilespmem:s20], [sflag:$0x3], $0x400, $0x38;
	[tilespmem:$0xE400] =	vst v63  }
0x101: {  	s18 =	sadd.s32 $0x280, s5  }
0x102: {  	s21 =	sor.u32 s0, s18  }
0x103: {  	s23 =	sadd.s32 s19, s9;
	s19 =	sadd.s32 $0x380, s5;
	s1 =	sshll.u32 s21, $0x7  }
0x104: {  	s0 =	sor.u32 s0, s19;
	s1 =	sand.u32 $0x1FFFFF80, s1  }
0x105: {  	s22 =	simm.s32 $0xB800;
	s0 =	sshll.u32 s0, $0x7;
	s1 =	sadd.s32 s2, s1  }
0x106: {  	[hbm4b:s1+s3] =	stream.linear.scatter [tilespmem:s22], [sflag:$0x3], $0x400, $0x38;
	[tilespmem:$0xE400] =	vst v63  }
0x107: {  	s25 =	simm.s32 $0xBC00;
	s0 =	sand.u32 $0x1FFFFF80, s0  }
0x108: {  	[hbm4b:s23+s3] =	stream.linear.scatter [tilespmem:s25], [sflag:$0x3], $0x400, $0x38;
	[tilespmem:$0xE400] =	vst v63  }
0x109: {  	p1 =	seq.s32 s11, $0x63;
	s26 =	simm.s32 $0xC000;
	s0 =	sadd.s32 s2, s0  }
0x10a: {  	[hbm4b:s0+s3] =	stream.linear.scatter [tilespmem:s26], [sflag:$0x3], $0x400, $0x38;
	[tilespmem:$0xE400] =	vst v63  }
0x10b: {  	s0 =	sshll.u32 @!p1 s11, $0x8  }
0x10c: {  	s0 =	sand.u32 @!p1 $0x3FFFFF00, s0  }
0x10d: {  	s20 =	simm.s32 @!p1 $0x6400;
	s1 =	simm.s32 @!p1 $0x80;
	s0 =	sadd.s32 @!p1 $0x100, s0  }
0x10e: {  	[tilespmem:s20], [sflag:$0x1] =	stream.indirect.gather @!p1 [hbm4b:s4+s1], $0x40, s0, s1, $0xb8;
	[tilespmem:$0xE400] =	vst v63  }
0x10f: {  	_ =	swait.ge [sflag:s24], $0x2000  }
0x110: {  	[sflag:s24] =	ssyncset.done $0x0  }
0x111: {  	s20 =	simm.s32 @!p0 $0x4;
	[sflag:s24] =	ssyncadd.s32 $0xFFFFE000  }
0x112: {  	_ =	swait.ge @!p0 [sflag:s20], $0x400  }
0x113: {  	[sflag:s20] =	ssyncset.done @!p0 $0x0  }
0x114: {  	[sflag:s20] =	ssyncadd.s32 @!p0 $0xFFFFFC00  }
0x115: {  	_ =	swait.ge @!p0 [sflag:s20], $0x400  }
0x116: {  	[sflag:s20] =	ssyncset.done @!p0 $0x0  }
0x117: {  	[sflag:s20] =	ssyncadd.s32 @!p0 $0xFFFFFC00  }
0x118: {  	_ =	swait.ge @!p0 [sflag:s20], $0x400  }
0x119: {  	[sflag:s20] =	ssyncset.done @!p0 $0x0  }
0x11a: {  	[sflag:s20] =	ssyncadd.s32 @!p0 $0xFFFFFC00  }
0x11b: {  	_ =	swait.ge @!p0 [sflag:s20], $0x400  }
0x11c: {  	[sflag:s20] =	ssyncset.done @!p0 $0x0  }
0x11d: {  	[sflag:s20] =	ssyncadd.s32 @!p0 $0xFFFFFC00  }
0x11e: {  	_ =	swait.ge @!p0 [sflag:s20], $0x400  }
0x11f: {  	[sflag:s20] =	ssyncset.done @!p0 $0x0  }
0x120: {  	[sflag:s20] =	ssyncadd.s32 @!p0 $0xFFFFFC00  }
0x121: {  	_ =	swait.ge @!p0 [sflag:s20], $0x400  }
0x122: {  	[sflag:s20] =	ssyncset.done @!p0 $0x0  }
0x123: {  	[sflag:s20] =	ssyncadd.s32 @!p0 $0xFFFFFC00  }
0x124: {  	s0 =	simm.s32 $0x3;
	_ =	swait.ge @!p0 [sflag:s20], $0x400  }
0x125: {  	s1 =	simm.s32 $0x1;
	v8 =	vor.u32 s0, v0;
	[sflag:s20] =	ssyncset.done @!p0 $0x0  }
0x126: {  	s30 =	simm.s32 $0x2;
	v9 =	vor.u32 s1, v0;
	[sflag:s20] =	ssyncadd.s32 @!p0 $0xFFFFFC00  }
0x127: {  	v10 =	vor.u32 s30, v0;
	_ =	swait.ge @!p0 [sflag:s20], $0x400  }
0x128: {  	s31 =	simm.s32 $0x0;
	[sflag:s20] =	ssyncset.done @!p0 $0x0  }
0x129: {  	v11 =	vor.u32 s31, v0;
	[sflag:s20] =	ssyncadd.s32 @!p0 $0xFFFFFC00  }
0x12a: {  	v8 =	vld.idx.msk [tilespmem:v8+s14+$0x0], $0xffff  }
0x12b: {  	v12 =	vor.u32 s0, v1;
	v9 =	vld.idx.msk [tilespmem:v9+s14+$0x0], $0xffff  }
0x12c: {  	v13 =	vor.u32 s1, v1;
	v10 =	vld.idx.msk [tilespmem:v10+s14+$0x0], $0xffff  }
0x12d: {  	v14 =	vor.u32 s30, v1  }
0x12e: {  	s26 =	simm.s32 $0xC500;
	v11 =	vld.idx.msk [tilespmem:v11+s14+$0x0], $0xffff  }
0x12f: {  	v15 =	vor.u32 s31, v1;
	[tilespmem:s26+$0x80] =	vst v8  }
0x130: {  	[tilespmem:s26+$0xFFFFFF80] =	vst v9;
	v8 =	vld.idx.msk [tilespmem:v12+s14+$0x0], $0xffff  }
0x131: {  	[tilespmem:s26+$0x0] =	vst v10;
	v10 =	vor.u32 s0, v2;
	v9 =	vld.idx.msk [tilespmem:v13+s14+$0x0], $0xffff  }
0x132: {  	v12 =	vld.idx.msk [tilespmem:v14+s14+$0x0], $0xffff;
	v13 =	vor.u32 s1, v2  }
0x133: {  	[tilespmem:s26+$0xFFFFFF00] =	vst v11;
	v11 =	vor.u32 s30, v2  }
0x134: {  	v14 =	vld.idx.msk [tilespmem:v15+s14+$0x0], $0xffff  }
0x135: {  	v15 =	vor.u32 s31, v2;
	[tilespmem:s26+$0x90] =	vst v8  }
0x136: {  	[tilespmem:s26+$0xFFFFFF90] =	vst v9;
	v8 =	vld.idx.msk [tilespmem:v10+s14+$0x0], $0xffff  }
0x137: {  	[tilespmem:s26+$0x10] =	vst v12;
	v9 =	vld.idx.msk [tilespmem:v13+s14+$0x0], $0xffff;
	v10 =	vor.u32 s0, v3  }
0x138: {  	v12 =	vor.u32 s1, v3;
	v11 =	vld.idx.msk [tilespmem:v11+s14+$0x0], $0xffff  }
0x139: {  	s20 =	simm.s32 $0x4;
	[tilespmem:s26+$0xFFFFFF10] =	vst v14;
	v13 =	vor.u32 s30, v3  }
0x13a: {  	v14 =	vor.u32 s20, v0;
	v15 =	vld.idx.msk [tilespmem:v15+s14+$0x0], $0xffff  }
0x13b: {  	v16 =	vor.u32 s31, v3;
	s22 =	simm.s32 $0x5;
	[tilespmem:s26+$0xA0] =	vst v8  }
0x13c: {  	v8 =	vor.u32 s22, v0;
	[tilespmem:s26+$0xFFFFFFA0] =	vst v9;
	v9 =	vld.idx.msk [tilespmem:v10+s14+$0x0], $0xffff  }
0x13d: {  	[tilespmem:s26+$0x20] =	vst v11;
	v11 =	vor.u32 s0, v4;
	v10 =	vld.idx.msk [tilespmem:v12+s14+$0x0], $0xffff  }
0x13e: {  	v12 =	vld.idx.msk [tilespmem:v13+s14+$0x0], $0xffff;
	v13 =	vor.u32 s1, v4  }
0x13f: {  	s28 =	simm.s32 $0x7;
	v14 =	vld.idx.msk [tilespmem:v14+s14+$0x0], $0xffff;
	[tilespmem:s26+$0xFFFFFF20] =	vst v15;
	v15 =	vor.u32 s30, v4  }
0x140: {  	v17 =	vor.u32 s28, v0;
	v16 =	vld.idx.msk [tilespmem:v16+s14+$0x0], $0xffff  }
0x141: {  	s21 =	simm.s32 $0x8;
	v18 =	vld.idx.msk [tilespmem:v8+s14+$0x0], $0xffff;
	v8 =	vor.u32 s31, v4;
	[tilespmem:s26+$0xB0] =	vst v9  }
0x142: {  	v19 =	vor.u32 s21, v0;
	s25 =	simm.s32 $0x6;
	[tilespmem:s26+$0xFFFFFFB0] =	vst v10;
	v9 =	vld.idx.msk [tilespmem:v11+s14+$0x0], $0xffff  }
0x143: {  	v10 =	vor.u32 s25, v0;
	[tilespmem:s26+$0x30] =	vst v12;
	v11 =	vld.idx.msk [tilespmem:v13+s14+$0x0], $0xffff  }
0x144: {  	v12 =	vor.u32 s0, v5;
	v13 =	vld.idx.msk [tilespmem:v15+s14+$0x0], $0xffff  }
0x145: {  	[tilespmem:s26+$0xFFFFFF30] =	vst v16;
	v16 =	vld.idx.msk [tilespmem:v17+s14+$0x0], $0xffff;
	v17 =	vor.u32 s30, v5  }
0x146: {  	v21 =	vor.u32 s28, v1;
	v20 =	vld.idx.msk [tilespmem:v8+s14+$0x0], $0xffff  }
0x147: {  	v15 =	vor.u32 s1, v5;
	v8 =	vld.idx.msk [tilespmem:v19+s14+$0x0], $0xffff;
	[tilespmem:s26+$0xC0] =	vst v9  }
0x148: {  	v10 =	vld.idx.msk [tilespmem:v10+s14+$0x0], $0xffff;
	v9 =	vor.u32 s22, v1;
	[tilespmem:s26+$0xFFFFFFC0] =	vst v11  }
0x149: {  	s23 =	simm.s32 $0xC700;
	[tilespmem:s26+$0x40] =	vst v13;
	v11 =	vld.idx.msk [tilespmem:v12+s14+$0x0], $0xffff;
	v12 =	vor.u32 s25, v1  }
0x14a: {  	[tilespmem:s23+$0x80] =	vst v16;
	v13 =	vld.idx.msk [tilespmem:v17+s14+$0x0], $0xffff;
	v17 =	vor.u32 s0, v6  }
0x14b: {  	v19 =	vor.u32 s20, v1;
	v16 =	vld.idx.msk [tilespmem:v21+s14+$0x0], $0xffff  }
0x14c: {  	[tilespmem:s23+$0xFFFFFF80] =	vst v18;
	v18 =	vor.u32 s31, v5;
	v15 =	vld.idx.msk [tilespmem:v15+s14+$0x0], $0xffff  }
0x14d: {  	[tilespmem:s23+$0x0] =	vst v10;
	v10 =	vor.u32 s1, v6;
	v9 =	vld.idx.msk [tilespmem:v9+s14+$0x0], $0xffff  }
0x14e: {  	v21 =	vor.u32 s28, v2;
	v12 =	vld.idx.msk [tilespmem:v12+s14+$0x0], $0xffff;
	[tilespmem:s26+$0xD0] =	vst v11  }
0x14f: {  	[tilespmem:s23+$0xFFFFFF00] =	vst v14;
	v11 =	vor.u32 s22, v2;
	v14 =	vld.idx.msk [tilespmem:v17+s14+$0x0], $0xffff  }
0x150: {  	[tilespmem:s26+$0xFFFFFF40] =	vst v20;
	v17 =	vld.idx.msk [tilespmem:v19+s14+$0x0], $0xffff;
	v19 =	vor.u32 s25, v2  }
0x151: {  	v20 =	vor.u32 s20, v2;
	v18 =	vld.idx.msk [tilespmem:v18+s14+$0x0], $0xffff;
	[tilespmem:s26+$0xFFFFFFD0] =	vst v15  }
0x152: {  	[tilespmem:s23+$0x90] =	vst v16;
	v15 =	vor.u32 s0, v7;
	v16 =	vld.idx.msk [tilespmem:v10+s14+$0x0], $0xffff  }
0x153: {  	v10 =	vor.u32 s30, v6;
	[tilespmem:s23+$0xFFFFFF90] =	vst v9;
	v9 =	vld.idx.msk [tilespmem:v21+s14+$0x0], $0xffff  }
0x154: {  	v11 =	vld.idx.msk [tilespmem:v11+s14+$0x0], $0xffff;
	[tilespmem:s23+$0x10] =	vst v12;
	v12 =	vor.u32 s31, v6  }
0x155: {  	v21 =	vor.u32 s28, v3;
	v19 =	vld.idx.msk [tilespmem:v19+s14+$0x0], $0xffff;
	[tilespmem:s23+$0xFFFFFF10] =	vst v17  }
0x156: {  	[tilespmem:s26+$0xE0] =	vst v14;
	v22 =	vld.idx.msk [tilespmem:v20+s14+$0x0], $0xffff;
	v20 =	vor.u32 s25, v3  }
0x157: {  	s29 =	simm.s32 $0x9;
	[tilespmem:s26+$0x50] =	vst v13;
	v17 =	vor.u32 s22, v3;
	v15 =	vld.idx.msk [tilespmem:v15+s14+$0x0], $0xffff  }
0x158: {  	v13 =	vor.u32 s29, v0;
	[tilespmem:s26+$0xFFFFFF50] =	vst v18;
	v23 =	vld.idx.msk [tilespmem:v10+s14+$0x0], $0xffff  }
0x159: {  	v25 =	vor.u32 s1, v7;
	[tilespmem:s23+$0xA0] =	vst v9;
	v10 =	vld.idx.msk [tilespmem:v12+s14+$0x0], $0xffff  }
0x15a: {  	v24 =	vor.u32 s20, v3;
	v14 =	vld.idx.msk [tilespmem:v21+s14+$0x0], $0xffff;
	[tilespmem:s23+$0x20] =	vst v19  }
0x15b: {  	[tilespmem:s23+$0xFFFFFFA0] =	vst v11;
	v11 =	vld.idx.msk [tilespmem:v20+s14+$0x0], $0xffff;
	v20 =	vor.u32 s30, v7  }
0x15c: {  	[tilespmem:s26+$0xFFFFFFE0] =	vst v16;
	v12 =	vld.idx.msk [tilespmem:v17+s14+$0x0], $0xffff;
	v17 =	vor.u32 s28, v4  }
0x15d: {  	v18 =	vor.u32 s22, v4;
	v9 =	vld.idx.msk [tilespmem:v13+s14+$0x0], $0xffff;
	[tilespmem:s26+$0xF0] =	vst v15  }
0x15e: {  	v13 =	vor.u32 s25, v4;
	v16 =	vld.idx.msk [tilespmem:v25+s14+$0x0], $0xffff;
	[tilespmem:s23+$0xFFFFFF20] =	vst v22  }
0x15f: {  	s10 =	sadd.s32 $0x1, s10;
	v19 =	vor.u32 s31, v7;
	s31 =	simm.s32 $0xC;
	s30 =	simm.s32 $0xB;
	v15 =	vld.idx.msk [tilespmem:v24+s14+$0x0], $0xffff;
	[tilespmem:s26+$0x60] =	vst v23  }
.LBB2_5:
0x160: {  	p0 =	slt.u32 s31, $0x3C;
	v21 =	vor.u32 s30, v0;
	[tilespmem:s23+$0xB0] =	vst v14;
	v14 =	vld.idx.msk [tilespmem:v20+s14+$0x0], $0xffff;
	s1 =	smov.u32 s21;
	s21 =	smov.u32 s31  }
0x161: {  	v20 =	vor.u32 s20, v4;
	s0 =	sadd.s32 $0x2, s1;
	[tilespmem:s23+$0xFFFFFFB0] =	vst v12;
	v12 =	vld.idx.msk [tilespmem:v17+s14+$0x0], $0xffff  }
0x162: {  	v17 =	vor.u32 s0, v0;
	v18 =	vld.idx.msk [tilespmem:v18+s14+$0x0], $0xffff;
	[tilespmem:s23+$0x30] =	vst v11  }
0x163: {  	v11 =	vld.idx.msk [tilespmem:v13+s14+$0x0], $0xffff;
	v13 =	vor.u32 s28, v5;
	[tilespmem:s26+$0xFFFFFF60] =	vst v10  }
0x164: {  	v10 =	vor.u32 s22, v5;
	[tilespmem:s23+$0xFFFFFF30] =	vst v15;
	v15 =	vld.idx.msk [tilespmem:v19+s14+$0x0], $0xffff  }
0x165: {  	v19 =	vld.idx.msk [tilespmem:v21+s14+$0x0], $0xffff;
	v21 =	vor.u32 s25, v5;
	[tilespmem:s26+$0xFFFFFFF0] =	vst v16  }
0x166: {  	v16 =	vor.u32 s31, v0;
	v20 =	vld.idx.msk [tilespmem:v20+s14+$0x0], $0xffff;
	[tilespmem:s26+$0x70] =	vst v14  }
0x167: {  	v14 =	vld.idx.msk [tilespmem:v17+s14+$0x0], $0xffff;
	v17 =	vor.u32 s30, v1;
	[tilespmem:s23+$0xC0] =	vst v12  }
0x168: {  	v12 =	vor.u32 s29, v1;
	[tilespmem:s23+$0xFFFFFFC0] =	vst v18;
	v13 =	vld.idx.msk [tilespmem:v13+s14+$0x0], $0xffff  }
0x169: {  	v18 =	vor.u32 s0, v1;
	v10 =	vld.idx.msk [tilespmem:v10+s14+$0x0], $0xffff;
	[tilespmem:s23+$0x40] =	vst v11  }
0x16a: {  	v11 =	vld.idx.msk [tilespmem:v21+s14+$0x0], $0xffff;
	v21 =	vor.u32 s28, v6;
	[tilespmem:s26+$0xFFFFFF70] =	vst v15;
	s26 =	smov.u32 s23;
	s23 =	sadd.s32 $0x200, s23  }
0x16b: {  	v15 =	vld.idx.msk [tilespmem:v16+s14+$0x0], $0xffff;
	v16 =	vor.u32 s1, v1;
	[tilespmem:s23+$0x80] =	vst v19  }
0x16c: {  	[tilespmem:s23+$0xFFFFFF80] =	vst v9;
	v9 =	vld.idx.msk [tilespmem:v17+s14+$0x0], $0xffff;
	v17 =	vor.u32 s20, v5  }
0x16d: {  	v12 =	vld.idx.msk [tilespmem:v12+s14+$0x0], $0xffff;
	[tilespmem:s23+$0x0] =	vst v14;
	v14 =	vor.u32 s22, v6  }
0x16e: {  	v19 =	vor.u32 s30, v2;
	v18 =	vld.idx.msk [tilespmem:v18+s14+$0x0], $0xffff;
	[tilespmem:s26+$0xD0] =	vst v13  }
0x16f: {  	v13 =	vor.u32 s29, v2;
	[tilespmem:s23+$0xFFFFFF00] =	vst v8;
	v21 =	vld.idx.msk [tilespmem:v21+s14+$0x0], $0xffff  }
0x170: {  	v22 =	vor.u32 s0, v2;
	v16 =	vld.idx.msk [tilespmem:v16+s14+$0x0], $0xffff;
	[tilespmem:s26+$0xFFFFFF40] =	vst v20  }
0x171: {  	v8 =	vmov v15;
	v17 =	vld.idx.msk [tilespmem:v17+s14+$0x0], $0xffff;
	[tilespmem:s26+$0xFFFFFFD0] =	vst v10;
	v10 =	vor.u32 s28, v7;
	s28 =	smov.u32 s30  }
0x172: {  	v15 =	vor.u32 s1, v2;
	[tilespmem:s23+$0x90] =	vst v9;
	v23 =	vld.idx.msk [tilespmem:v14+s14+$0x0], $0xffff  }
0x173: {  	[tilespmem:s23+$0xFFFFFF90] =	vst v12;
	v9 =	vld.idx.msk [tilespmem:v19+s14+$0x0], $0xffff;
	v12 =	vor.u32 s25, v6  }
0x174: {  	v14 =	vor.u32 s20, v6;
	v13 =	vld.idx.msk [tilespmem:v13+s14+$0x0], $0xffff;
	[tilespmem:s23+$0x10] =	vst v18  }
0x175: {  	v19 =	vor.u32 s28, v3;
	v18 =	vld.idx.msk [tilespmem:v22+s14+$0x0], $0xffff;
	[tilespmem:s26+$0xE0] =	vst v21  }
0x176: {  	[tilespmem:s23+$0xFFFFFF10] =	vst v16;
	v16 =	vor.u32 s29, v3;
	v21 =	vld.idx.msk [tilespmem:v10+s14+$0x0], $0xffff  }
0x177: {  	s30 =	sadd.s32 $0x1, s31;
	v22 =	vor.u32 s0, v3;
	v15 =	vld.idx.msk [tilespmem:v15+s14+$0x0], $0xffff;
	[tilespmem:s26+$0x50] =	vst v11  }
0x178: {  	v24 =	vor.u32 s30, v0;
	[tilespmem:s26+$0xFFFFFF50] =	vst v17;
	v25 =	vld.idx.msk [tilespmem:v12+s14+$0x0], $0xffff  }
0x179: {  	v26 =	vor.u32 s1, v3;
	[tilespmem:s23+$0xA0] =	vst v9;
	v10 =	vld.idx.msk [tilespmem:v14+s14+$0x0], $0xffff  }
0x17a: {  	v27 =	vor.u32 s22, v7;
	s22 =	smov.u32 s29;
	s29 =	smov.u32 s30;
	[tilespmem:s23+$0xFFFFFFA0] =	vst v13;
	v14 =	vld.idx.msk [tilespmem:v19+s14+$0x0], $0xffff  }
.Ltmp3:
0x17b: {  	v20 =	vor.u32 s25, v7;
	s25 =	smov.u32 s0;
	v12 =	vld.idx.msk [tilespmem:v16+s14+$0x0], $0xffff;
	[tilespmem:s23+$0x20] =	vst v18;
	(pc) =	sbr.rel @p0 .LBB2_5-.Ltmp3, $4  }
0x17c: {  	v17 =	vor.u32 s28, v4;
	v11 =	vld.idx.msk [tilespmem:v22+s14+$0x0], $0xffff;
	[tilespmem:s26+$0xF0] =	vst v21  }
0x17d: {  	v18 =	vor.u32 s22, v4;
	v9 =	vld.idx.msk [tilespmem:v24+s14+$0x0], $0xffff;
	[tilespmem:s23+$0xFFFFFF20] =	vst v15  }
0x17e: {  	v13 =	vor.u32 s25, v4;
	v15 =	vld.idx.msk [tilespmem:v26+s14+$0x0], $0xffff;
	[tilespmem:s26+$0xFFFFFFE0] =	vst v23  }
0x17f: {  	s31 =	sadd.s32 $0x4, s31;
	s30 =	sadd.s32 $0x3, s21;
	v19 =	vor.u32 s20, v7;
	s20 =	smov.u32 s1;
	v16 =	vld.idx.msk [tilespmem:v27+s14+$0x0], $0xffff;
	[tilespmem:s26+$0x60] =	vst v25  }
0x180: {  	_ = 	snop  }
0x181: {  	[tilespmem:s23+$0xB0] =	vst v14  }
0x182: {  	v21 =	vor.u32 s30, v0;
	s31 =	sadd.s32 $0x2, s21;
	[tilespmem:s23+$0xFFFFFFB0] =	vst v12  }
0x183: {  	[tilespmem:s26+$0xFFFFFF60] =	vst v10;
	v46 =	vor.u32 s31, v0  }
0x184: {  	v44 =	vld.idx.msk [tilespmem:v20+s14+$0x0], $0xffff;
	s1 =	sadd.s32 $0x200, s23;
	[tilespmem:s23+$0x30] =	vst v11  }
0x185: {  	v45 =	vld.idx.msk [tilespmem:v17+s14+$0x0], $0xffff;
	[tilespmem:s1+$0xFFFFFF00] =	vst v8  }
0x186: {  	v52 =	vor.u32 s29, v1;
	v47 =	vld.idx.msk [tilespmem:v18+s14+$0x0], $0xffff;
	[tilespmem:s1+$0xFFFFFF80] =	vst v9  }
0x187: {  	v55 =	vor.u32 s20, v4;
	[tilespmem:s23+$0xFFFFFF30] =	vst v15;
	v49 =	vld.idx.msk [tilespmem:v21+s14+$0x0], $0xffff  }
0x188: {  	v50 =	vor.u32 s30, v1;
	[tilespmem:s26+$0xFFFFFFF0] =	vst v16;
	v51 =	vld.idx.msk [tilespmem:v46+s14+$0x0], $0xffff  }
0x189: {  	v10 =	vld.idx.msk [tilespmem:v19+s14+$0x0], $0xffff;
	v53 =	vor.u32 s31, v1;
	[tilespmem:s26+$0x70] =	vst v44  }
0x18a: {  	v54 =	vor.u32 s21, v1;
	v13 =	vld.idx.msk [tilespmem:v13+s14+$0x0], $0xffff;
	[tilespmem:s23+$0xC0] =	vst v45  }
0x18b: {  	v48 =	vor.u32 s28, v5;
	v12 =	vld.idx.msk [tilespmem:v52+s14+$0x0], $0xffff;
	[tilespmem:s23+$0xFFFFFFC0] =	vst v47  }
0x18c: {  	v56 =	vor.u32 s22, v5;
	v60 =	vld.idx.msk [tilespmem:v55+s14+$0x0], $0xffff;
	[tilespmem:s1+$0x80] =	vst v49  }
0x18d: {  	v8 =	vor.u32 s29, v2;
	v57 =	vld.idx.msk [tilespmem:v50+s14+$0x0], $0xffff;
	[tilespmem:s1+$0x0] =	vst v51  }
0x18e: {  	v58 =	vor.u32 s30, v2;
	[tilespmem:s26+$0xFFFFFF70] =	vst v10;
	v11 =	vld.idx.msk [tilespmem:v53+s14+$0x0], $0xffff  }
0x18f: {  	v59 =	vor.u32 s31, v2;
	v10 =	vld.idx.msk [tilespmem:v54+s14+$0x0], $0xffff;
	[tilespmem:s23+$0x40] =	vst v13  }
0x190: {  	v61 =	vor.u32 s21, v2;
	v15 =	vld.idx.msk [tilespmem:v48+s14+$0x0], $0xffff;
	[tilespmem:s1+$0xFFFFFF90] =	vst v12  }
0x191: {  	v20 =	vor.u32 s25, v5;
	v62 =	vld.idx.msk [tilespmem:v56+s14+$0x0], $0xffff;
	[tilespmem:s23+$0xFFFFFF40] =	vst v60  }
0x192: {  	v28 =	vor.u32 s20, v5;
	v8 =	vld.idx.msk [tilespmem:v8+s14+$0x0], $0xffff;
	[tilespmem:s1+$0x90] =	vst v57  }
0x193: {  	v23 =	vor.u32 s29, v3;
	v21 =	vld.idx.msk [tilespmem:v58+s14+$0x0], $0xffff;
	[tilespmem:s1+$0x10] =	vst v11  }
0x194: {  	v22 =	vor.u32 s30, v3;
	[tilespmem:s1+$0xFFFFFF10] =	vst v10;
	v13 =	vld.idx.msk [tilespmem:v59+s14+$0x0], $0xffff  }
0x195: {  	v25 =	vor.u32 s31, v3;
	[tilespmem:s23+$0xD0] =	vst v15;
	v24 =	vld.idx.msk [tilespmem:v61+s14+$0x0], $0xffff  }
0x196: {  	v27 =	vor.u32 s21, v3;
	v9 =	vld.idx.msk [tilespmem:v20+s14+$0x0], $0xffff;
	[tilespmem:s23+$0xFFFFFFD0] =	vst v62  }
0x197: {  	v63 =	vor.u32 s28, v6;
	v34 =	vld.idx.msk [tilespmem:v28+s14+$0x0], $0xffff;
	[tilespmem:s1+$0xFFFFFFA0] =	vst v8  }
0x198: {  	v36 =	vor.u32 s22, v6;
	v10 =	vld.idx.msk [tilespmem:v23+s14+$0x0], $0xffff;
	[tilespmem:s1+$0xA0] =	vst v21  }
0x199: {  	v31 =	vor.u32 s29, v4;
	v8 =	vld.idx.msk [tilespmem:v22+s14+$0x0], $0xffff;
	[tilespmem:s1+$0x20] =	vst v13  }
0x19a: {  	v30 =	vor.u32 s30, v4;
	[tilespmem:s1+$0xFFFFFF20] =	vst v24;
	v13 =	vld.idx.msk [tilespmem:v25+s14+$0x0], $0xffff  }
0x19b: {  	v33 =	vor.u32 s31, v4;
	[tilespmem:s23+$0x50] =	vst v9;
	v32 =	vld.idx.msk [tilespmem:v27+s14+$0x0], $0xffff  }
0x19c: {  	v35 =	vor.u32 s21, v4;
	v26 =	vld.idx.msk [tilespmem:v63+s14+$0x0], $0xffff;
	[tilespmem:s23+$0xFFFFFF50] =	vst v34  }
0x19d: {  	v45 =	vor.u32 s20, v6;
	v43 =	vld.idx.msk [tilespmem:v36+s14+$0x0], $0xffff;
	[tilespmem:s1+$0xFFFFFFB0] =	vst v10  }
0x19e: {  	v38 =	vld.idx.msk [tilespmem:v31+s14+$0x0], $0xffff;
	[tilespmem:s1+$0xB0] =	vst v8;
	v8 =	vor.u32 s25, v6  }
0x19f: {  	v41 =	vor.u32 s29, v5;
	v37 =	vld.idx.msk [tilespmem:v30+s14+$0x0], $0xffff;
	[tilespmem:s1+$0x30] =	vst v13  }
0x1a0: {  	v39 =	vor.u32 s30, v5;
	[tilespmem:s1+$0xFFFFFF30] =	vst v32;
	v40 =	vld.idx.msk [tilespmem:v33+s14+$0x0], $0xffff  }
0x1a1: {  	v42 =	vor.u32 s31, v5;
	[tilespmem:s23+$0xE0] =	vst v26;
	v9 =	vld.idx.msk [tilespmem:v35+s14+$0x0], $0xffff  }
0x1a2: {  	v44 =	vor.u32 s21, v5;
	v53 =	vld.idx.msk [tilespmem:v45+s14+$0x0], $0xffff;
	[tilespmem:s23+$0xFFFFFFE0] =	vst v43  }
0x1a3: {  	v29 =	vor.u32 s28, v7;
	[tilespmem:s1+$0xFFFFFFC0] =	vst v38;
	v8 =	vld.idx.msk [tilespmem:v8+s14+$0x0], $0xffff  }
0x1a4: {  	v46 =	vor.u32 s22, v7;
	v48 =	vld.idx.msk [tilespmem:v41+s14+$0x0], $0xffff;
	[tilespmem:s1+$0xC0] =	vst v37  }
0x1a5: {  	v51 =	vor.u32 s29, v6;
	v47 =	vld.idx.msk [tilespmem:v39+s14+$0x0], $0xffff;
	[tilespmem:s1+$0x40] =	vst v40  }
0x1a6: {  	v49 =	vor.u32 s30, v6;
	[tilespmem:s1+$0xFFFFFF40] =	vst v9;
	v50 =	vld.idx.msk [tilespmem:v42+s14+$0x0], $0xffff  }
0x1a7: {  	v52 =	vor.u32 s31, v6;
	[tilespmem:s23+$0xFFFFFF60] =	vst v53;
	v9 =	vld.idx.msk [tilespmem:v44+s14+$0x0], $0xffff  }
0x1a8: {  	v12 =	vld.idx.msk [tilespmem:v29+s14+$0x0], $0xffff;
	[tilespmem:s23+$0x60] =	vst v8;
	v8 =	vor.u32 s21, v6  }
0x1a9: {  	v55 =	vor.u32 s20, v7;
	v10 =	vld.idx.msk [tilespmem:v46+s14+$0x0], $0xffff;
	[tilespmem:s1+$0xFFFFFFD0] =	vst v48  }
0x1aa: {  	v54 =	vor.u32 s25, v7;
	v16 =	vld.idx.msk [tilespmem:v51+s14+$0x0], $0xffff;
	[tilespmem:s1+$0xD0] =	vst v47  }
0x1ab: {  	v57 =	vor.u32 s29, v7;
	v14 =	vld.idx.msk [tilespmem:v49+s14+$0x0], $0xffff;
	[tilespmem:s1+$0x50] =	vst v50  }
0x1ac: {  	v56 =	vor.u32 s30, v7;
	[tilespmem:s1+$0xFFFFFF50] =	vst v9;
	v58 =	vld.idx.msk [tilespmem:v52+s14+$0x0], $0xffff  }
0x1ad: {  	v59 =	vor.u32 s31, v7;
	[tilespmem:s23+$0xF0] =	vst v12;
	v8 =	vld.idx.msk [tilespmem:v8+s14+$0x0], $0xffff  }
0x1ae: {  	v60 =	vor.u32 s21, v7;
	v61 =	vld.idx.msk [tilespmem:v55+s14+$0x0], $0xffff;
	[tilespmem:s23+$0xFFFFFFF0] =	vst v10  }
0x1af: {  	v18 =	vld.idx.msk [tilespmem:v54+s14+$0x0], $0xffff;
	[tilespmem:s1+$0xFFFFFFE0] =	vst v16  }
0x1b0: {  	v63 =	vld.idx.msk [tilespmem:v57+s14+$0x0], $0xffff;
	[tilespmem:s1+$0xE0] =	vst v14  }
0x1b1: {  	v62 =	vld.idx.msk [tilespmem:v56+s14+$0x0], $0xffff;
	[tilespmem:s1+$0x60] =	vst v58  }
0x1b2: {  	v9 =	vld.idx.msk [tilespmem:v59+s14+$0x0], $0xffff;
	[tilespmem:s1+$0xFFFFFF60] =	vst v8  }
0x1b3: {  	[tilespmem:s23+$0xFFFFFF70] =	vst v61;
	v8 =	vld.idx.msk [tilespmem:v60+s14+$0x0], $0xffff  }
0x1b4: {  	s0 =	sshll.u32 s10, $0xA;
	[tilespmem:s23+$0x70] =	vst v18  }
0x1b5: {  	s5 =	sor.u32 s5, s0;
	[tilespmem:s1+$0xFFFFFFF0] =	vst v63  }
0x1b6: {  	s5 =	sshll.u32 s5, $0x7;
	[tilespmem:s1+$0xF0] =	vst v62  }
0x1b7: {  	s5 =	sand.u32 $0x1FFE7F80, s5;
	s30 =	sor.u32 s0, s16;
	[tilespmem:s1+$0x70] =	vst v9  }
0x1b8: {  	s28 =	sadd.s32 s2, s5;
	s29 =	simm.s32 $0xC400;
	[tilespmem:s1+$0xFFFFFF70] =	vst v8;
	s1 =	sshll.u32 s30, $0x7  }
0x1b9: {  	[hbm4b:s28+s3] =	stream.linear.scatter [tilespmem:s29], [sflag:$0x4], $0x400, $0x38;
	[tilespmem:$0xE400] =	vst v63  }
0x1ba: {  	s1 =	sand.u32 $0x1FFEFF80, s1  }
0x1bb: {  	s31 =	simm.s32 $0xC800;
	s21 =	sor.u32 s0, s17;
	s1 =	sadd.s32 s2, s1  }
0x1bc: {  	[hbm4b:s1+s3] =	stream.linear.scatter [tilespmem:s31], [sflag:$0x4], $0x400, $0x38;
	[tilespmem:$0xE400] =	vst v63  }
0x1bd: {  	s1 =	sshll.u32 s21, $0x7  }
0x1be: {  	s20 =	simm.s32 $0xCC00;
	s16 =	sadd.s32 s5, s7;
	s1 =	sand.u32 $0x1FFFFF80, s1  }
0x1bf: {  	[hbm4b:s16+s3] =	stream.linear.scatter [tilespmem:s20], [sflag:$0x4], $0x400, $0x38;
	[tilespmem:$0xE400] =	vst v63  }
0x1c0: {  	s22 =	simm.s32 $0xD000;
	s26 =	sor.u32 s0, s18;
	s1 =	sadd.s32 s2, s1  }
0x1c1: {  	[hbm4b:s1+s3] =	stream.linear.scatter [tilespmem:s22], [sflag:$0x4], $0x400, $0x38;
	[tilespmem:$0xE400] =	vst v63  }
0x1c2: {  	s1 =	sshll.u32 s26, $0x7  }
0x1c3: {  	s25 =	simm.s32 $0xD400;
	s23 =	sadd.s32 s5, s8;
	s1 =	sand.u32 $0x1FFFFF80, s1  }
0x1c4: {  	[hbm4b:s23+s3] =	stream.linear.scatter [tilespmem:s25], [sflag:$0x4], $0x400, $0x38;
	[tilespmem:$0xE400] =	vst v63  }
0x1c5: {  	s0 =	sadd.s32 s0, s19;
	s28 =	simm.s32 $0xD800;
	s1 =	sadd.s32 s2, s1  }
0x1c6: {  	[hbm4b:s1+s3] =	stream.linear.scatter [tilespmem:s28], [sflag:$0x4], $0x400, $0x38;
	[tilespmem:$0xE400] =	vst v63  }
.Ltmp4:
0x1c7: {  	s0 =	sshll.u32 s0, $0x7;
	(pc) =	sbr.rel @p1 .LBB2_8-.Ltmp4, $4  }
0x1c8: {  	s0 =	sand.u32 $0x1FFFFF80, s0;
	s30 =	simm.s32 $0xDC00;
	s29 =	sadd.s32 s5, s9  }
0x1c9: {  	[hbm4b:s29+s3] =	stream.linear.scatter [tilespmem:s30], [sflag:$0x4], $0x400, $0x38;
	[tilespmem:$0xE400] =	vst v63  }
0x1ca: {  	s0 =	sadd.s32 s2, s0;
	s31 =	simm.s32 $0xE000  }
0x1cb: {  	[hbm4b:s0+s3] =	stream.linear.scatter [tilespmem:s31], [sflag:$0x4], $0x400, $0x38;
	[tilespmem:$0xE400] =	vst v63  }
.Ltmp5:
0x1cc: {  	(pc) =	sbr.rel .LBB2_2-.Ltmp5, $4  }
0x1cd: {  	s0 =	sshll.u32 s11, $0x8  }
0x1ce: {  	s0 =	sand.u32 $0x3FFFFF00, s0  }
0x1cf: {  	s11 =	sadd.s32 $0x1, s11;
	s0 =	sadd.s32 $0x180, s0  }
0x1d0: {  	[tilespmem:s14], [sflag:$0x2] =	stream.indirect.gather [hbm4b:s4+s12], $0x40, s0, s12, $0xb8;
	[tilespmem:$0xE400] =	vst v63  }
.LBB2_9:
0x1d1: {  	_ =	sfence.sel $0x180000  }
0x1d2: {  	[bflag:$0x0] =	sbarrier.arrive $0xFFFF  }
0x1d3: {  	_ =	strace $0x90000047  }
0x1d4: {  	s0 =	stileid.u32;
	[bflag:$0x2] =	sbarrier.arrive $0xFFFF  }
0x1d5: {  	p0 =	sne.s32 s0, $0x0;
	s0 =	rddreg [dreg:$0x3]  }
0x1d6: {  	s0 =	sadd.s32 @!p0 $0x100000, s0  }
0x1d7: {  	[sflag:s0] =	ssyncadd.tile.s32 @!p0 $0x1;
	_ =	shalt  }
.Lfunc_end2:
_tile_overlayer_lowered:
.L_overlay_start_2:
0x1d8: {  	(tag) =	ssettag $0x2  }
0x1d9: {  	s0 =	rddreg [dreg:$0x0];
	s2 =	stileid.u32  }
0x1da: {  	s1 =	rddreg [dreg:$0x1];
	p0 =	sne.s32 s2, $0x0  }
0x1db: {  	s3 =	rddreg [dreg:$0x2];
	[bflag:$0x3] =	sbarrier.arrive $0xFFFF;
	s2 =	simm.s32 @!p0 $0x1C05  }
0x1dc: {  	[timem:s3], [sflag:s2] =	dma.local @!p0 [hbm:s0], s1  }
0x1dd: {  	s0 =	simm.s32 @!p0 $0x5  }
0x1de: {  	_ =	swait.ge @!p0 [sflag:s0], s1  }
0x1df: {  	s1 =	ssub.s32 @!p0 $0x0, s1;
	[sflag:s0] =	ssyncset.done @!p0 $0x0  }
0x1e0: {  	[sflag:s0] =	ssyncadd.s32 @!p0 s1  }
0x1e1: {  	[bflag:$0x3] =	sbarrier.arrive $0xFFFF  }
0x1e2: {  	_ =	shalt  }

</sc_bundles>
